<compile_context>
chip_gen: v7x
topology: tpu7x:2x2x1
jax: 0.10.2.dev20260603
libtpu: 0.0.44.dev20260713+nightly
codegen_flags: <defaults>
</compile_context>

<pallas_src>
import functools

import jax
import jax.numpy as jnp
from jax import lax
from jax.experimental import pallas as pl
from jax.experimental.pallas import tpu as pltpu
from jax.experimental.pallas import tpu_sc as plsc

VOCAB = 100000
EMBED = 128
HIDDEN = 128
B = 4096
L = 200

NC = 2
NS = 16
NW = NC * NS
SPW = B // NW
LANES = 16
NREG = EMBED // LANES
UNROLL = 8
NBUF = 3

CHUNKS = ((0, 128), (128, 72))


def _sc_pool_body(x_hbm, table_hbm, out_hbm, xs_v, rows0_v, rows1_v, rows2_v,
                  out_v, sem0, sem1, sem2):
    wid = lax.axis_index("s") * NC + lax.axis_index("c")
    base = wid * SPW
    bufs = (rows0_v, rows1_v, rows2_v)
    sems = (sem0, sem1, sem2)

    pltpu.sync_copy(x_hbm.at[pl.ds(base, SPW)], xs_v)

    def fire(s, slot):
        for off, size in CHUNKS:
            pltpu.async_copy(
                table_hbm.at[xs_v.at[s, pl.ds(off, size)]],
                bufs[slot].at[pl.ds(off, size)], sems[slot])

    def drain(slot):
        pltpu.make_async_copy(table_hbm.at[pl.ds(0, L)], bufs[slot],
                              sems[slot]).wait()

    def reduce(slot, s):
        buf = bufs[slot]

        def red_body(i, accs):
            j0 = i * UNROLL
            for u in range(UNROLL):
                accs = tuple(accs[r] + buf[j0 + u, pl.ds(r * LANES, LANES)]
                             for r in range(NREG))
            return accs

        zero = jnp.zeros((LANES,), jnp.float32)
        accs = lax.fori_loop(0, L // UNROLL, red_body, (zero,) * NREG)
        for r in range(NREG):
            out_v[s, pl.ds(r * LANES, LANES)] = accs[r]

    fire(0, 0)
    fire(1, 1)

    def ring_body(g, _):
        s0 = NBUF * g
        for o in range(NBUF):
            s = s0 + o
            nxt = s + NBUF - 1

            @pl.when(nxt < SPW)
            def _():
                fire(nxt, (o + NBUF - 1) % NBUF)

            @pl.when(s < SPW)
            def _():
                drain(o)
                reduce(o, s)
        return 0

    lax.fori_loop(0, (SPW + NBUF - 1) // NBUF, ring_body, 0)

    pltpu.sync_copy(out_v, out_hbm.at[pl.ds(base, SPW)])


_sc_pool = functools.partial(
    pl.kernel,
    out_type=jax.ShapeDtypeStruct((B, EMBED), jnp.float32),
    mesh=plsc.VectorSubcoreMesh(core_axis_name="c", subcore_axis_name="s"),
    compiler_params=pltpu.CompilerParams(needs_layout_passes=False),
    scratch_types=[
        pltpu.VMEM((SPW, L), jnp.int32),
        pltpu.VMEM((L, EMBED), jnp.float32),
        pltpu.VMEM((L, EMBED), jnp.float32),
        pltpu.VMEM((L, EMBED), jnp.float32),
        pltpu.VMEM((SPW, EMBED), jnp.float32),
        pltpu.SemaphoreType.DMA,
        pltpu.SemaphoreType.DMA,
        pltpu.SemaphoreType.DMA,
    ],
)(_sc_pool_body)


def _mlp_body(p_ref, w1_ref, b1_ref, w2_ref, b2_ref, o_ref):
    p = p_ref[...] * jnp.float32(1.0 / L)
    h = jnp.dot(p, w1_ref[...], preferred_element_type=jnp.float32)
    h = jnp.maximum(h + b1_ref[...], 0.0)
    o_ref[...] = jnp.sum(h * w2_ref[...], axis=1, keepdims=True) + b2_ref[...]


def kernel(x, table, W1, b1, W2, b2):
    pooled_sum = _sc_pool(x, table)
    out = pl.pallas_call(
        _mlp_body,
        out_shape=jax.ShapeDtypeStruct((B, 1), jnp.float32),
    )(pooled_sum, W1, b1.reshape(1, HIDDEN), W2.reshape(1, HIDDEN),
      b2.reshape(1, 1))
    return out.reshape(B)

# --- scband reference (transcript-rebuilt; emitter-appended) ---
"""Pipeline reference for scband-classifier-19851338842534 (READ-ONLY COPY).

The authoritative reference and input builder live on the scoring server;
editing this copy changes nothing except your own understanding.
"""

import jax, jax.numpy as jnp
import numpy as np

VOCAB = 100000
EMBED = 128
HIDDEN = 128
B = 4096
L = 200

def setup_inputs(seed: int = 0) -> dict:
    key = jax.random.key(seed)
    k_x, k_tab, k_w1, k_b1, k_w2, k_b2 = jax.random.split(key, 6)
    x = jax.random.randint(k_x, (B, L), 0, VOCAB, dtype=jnp.int64 if jax.config.jax_enable_x64 else jnp.int32)
    # flax nn.Embed default init: normal(stddev=1.0)
    table = jax.random.normal(k_tab, (VOCAB, EMBED), dtype=jnp.float32)
    # flax nn.Dense default: lecun_normal kernel, zeros bias
    W1 = jax.random.normal(k_w1, (EMBED, HIDDEN), dtype=jnp.float32) * (1.0 / np.sqrt(EMBED))
    b1 = jnp.zeros((HIDDEN,), dtype=jnp.float32)
    W2 = jax.random.normal(k_w2, (HIDDEN, 1), dtype=jnp.float32) * (1.0 / np.sqrt(HIDDEN))
    b2 = jnp.zeros((1,), dtype=jnp.float32)
    return {"x": x, "table": table, "W1": W1, "b1": b1, "W2": W2, "b2": b2}

def reference(x, table, W1, b1, W2, b2):
    # nn.Embed lookup
    emb = jnp.take(table, x, axis=0)            # [B, L, EMBED]
    # mean pooling over sequence axis
    pooled = emb.mean(axis=1)                    # [B, EMBED]
    # Dense(hidden_dim) + relu
    h = pooled @ W1 + b1
    h = jax.nn.relu(h)
    # Dense(1) + squeeze
    out = h @ W2 + b2                            # [B, 1]
    return out.squeeze(-1)                       # [B]

if __name__ == "__main__":
    import jax
    _d = setup_inputs()
    print(jax.jit(kernel)(*tuple(_d.values())))

</pallas_src>

<mosaic_0001>
#map = affine_map<(d0, d1) -> (0, 0)>
module attributes {stable_mosaic.version = 14 : i64} {
  func.func @_sc_pool_body(%arg0: i32, %arg1: i32, %arg2: memref<4096x200xi32, #tpu.memory_space<hbm>>, %arg3: memref<100000x128xf32, #tpu.memory_space<hbm>>, %arg4: memref<4096x128xf32, #tpu.memory_space<hbm>>, %arg5: memref<128x200xi32, #tpu.memory_space<vmem>>, %arg6: memref<200x128xf32, #tpu.memory_space<vmem>>, %arg7: memref<200x128xf32, #tpu.memory_space<vmem>>, %arg8: memref<200x128xf32, #tpu.memory_space<vmem>>, %arg9: memref<128x128xf32, #tpu.memory_space<vmem>>, %arg10: memref<!tpu.dma_semaphore, #tpu.memory_space<semaphore_mem>>, %arg11: memref<!tpu.dma_semaphore, #tpu.memory_space<semaphore_mem>>, %arg12: memref<!tpu.dma_semaphore, #tpu.memory_space<semaphore_mem>>) attributes {dimension_semantics = [#tpu.dimension_semantics<core_parallel>, #tpu.dimension_semantics<subcore_parallel>], iteration_bounds = array<i64: 2, 16>, scalar_prefetch = 0 : i64, scratch_operands = 8 : i64, tpu.core_type = #tpu.core_type<sc_vector_subcore>, window_params = [{transform_indices = #map}, {transform_indices = #map}, {transform_indices = #map}]} {
    %mul3A = arith.constant 2 : i32
    %mul3A_0 = arith.muli %arg1, %mul3A : i32
    %add3A = arith.addi %mul3A_0, %arg0 : i32
    %mul3A_1 = arith.constant 128 : i32
    %mul3A_2 = arith.muli %add3A, %mul3A_1 : i32
    "tpu.region"() ({
      %run_scoped3A = tpu.sem_alloc : memref<!tpu.dma_semaphore, #tpu.memory_space<semaphore_mem>>
      %dma_start3A_48 = arith.constant 0 : i32
      %dma_start3A_49 = tpu.memref_slice %arg2[%mul3A_2, %dma_start3A_48] : memref<4096x200xi32, #tpu.memory_space<hbm>> -> memref<128x200xi32, #tpu.memory_space<hbm>>
      %dma_start3A_50 = arith.constant 0 : i32
      %dma_start3A_51 = tpu.memref_slice %arg2[%mul3A_2, %dma_start3A_50] : memref<4096x200xi32, #tpu.memory_space<hbm>> -> memref<128x200xi32, #tpu.memory_space<hbm>>
      tpu.enqueue_dma source(%dma_start3A_51 : memref<128x200xi32, #tpu.memory_space<hbm>>) target(%arg5 : memref<128x200xi32, #tpu.memory_space<vmem>>) target_semaphore(%run_scoped3A : memref<!tpu.dma_semaphore, #tpu.memory_space<semaphore_mem>>)
      %dma_wait3A = arith.constant 0 : i32
      %dma_wait3A_52 = tpu.memref_slice %arg2[%mul3A_2, %dma_wait3A] : memref<4096x200xi32, #tpu.memory_space<hbm>> -> memref<128x200xi32, #tpu.memory_space<hbm>>
      %dma_wait3A_53 = arith.constant 0 : i32
      %dma_wait3A_54 = tpu.memref_slice %arg2[%mul3A_2, %dma_wait3A_53] : memref<4096x200xi32, #tpu.memory_space<hbm>> -> memref<128x200xi32, #tpu.memory_space<hbm>>
      tpu.wait_dma2 semaphore(%run_scoped3A : memref<!tpu.dma_semaphore, #tpu.memory_space<semaphore_mem>>) src(%dma_wait3A_54 : memref<128x200xi32, #tpu.memory_space<hbm>>) dst(%arg5 : memref<128x200xi32, #tpu.memory_space<vmem>>)
      tpu.yield
    }) : () -> ()
    %dma_start3A = arith.constant 0 : i32
    %dma_start3A_3 = arith.constant 0 : i32
    %dma_start3A_4 = arith.constant 0 : i32
    %dma_start3A_5 = tpu.memref_slice %arg6[%dma_start3A_3, %dma_start3A_4] : memref<200x128xf32, #tpu.memory_space<vmem>> -> memref<128x128xf32, #tpu.memory_space<vmem>>
    %dma_start3A_6 = arith.constant 0 : i32
    %dma_start3A_7 = tpu.memref_slice %arg5[%dma_start3A, %dma_start3A_6] : memref<128x200xi32, #tpu.memory_space<vmem>> -> memref<1x128xi32, #tpu.memory_space<vmem>>
    %dma_start3A_8 = tpu.memref_squeeze %dma_start3A_7 : memref<1x128xi32, #tpu.memory_space<vmem>> -> memref<128xi32, #tpu.memory_space<vmem>>
    %dma_start3A_9 = arith.constant 0 : i32
    %dma_start3A_10 = arith.constant 0 : i32
    %dma_start3A_11 = tpu.memref_slice %arg3[%dma_start3A_9, %dma_start3A_10] : memref<100000x128xf32, #tpu.memory_space<hbm>> -> memref<100000x128xf32, #tpu.memory_space<hbm>>
    tpu.enqueue_indirect_dma source(%dma_start3A_11 : memref<100000x128xf32, #tpu.memory_space<hbm>>) target(%dma_start3A_5 : memref<128x128xf32, #tpu.memory_space<vmem>>) offsets(%dma_start3A_8 : memref<128xi32, #tpu.memory_space<vmem>>) semaphore(%arg10 : memref<!tpu.dma_semaphore, #tpu.memory_space<semaphore_mem>>)
    %dma_start3A_12 = arith.constant 0 : i32
    %dma_start3A_13 = arith.constant 128 : i32
    %dma_start3A_14 = arith.constant 0 : i32
    %dma_start3A_15 = tpu.memref_slice %arg6[%dma_start3A_13, %dma_start3A_14] : memref<200x128xf32, #tpu.memory_space<vmem>> -> memref<72x128xf32, #tpu.memory_space<vmem>>
    %dma_start3A_16 = arith.constant 128 : i32
    %dma_start3A_17 = tpu.memref_slice %arg5[%dma_start3A_12, %dma_start3A_16] : memref<128x200xi32, #tpu.memory_space<vmem>> -> memref<1x72xi32, #tpu.memory_space<vmem>>
    %dma_start3A_18 = tpu.memref_squeeze %dma_start3A_17 : memref<1x72xi32, #tpu.memory_space<vmem>> -> memref<72xi32, #tpu.memory_space<vmem>>
    %dma_start3A_19 = arith.constant 0 : i32
    %dma_start3A_20 = arith.constant 0 : i32
    %dma_start3A_21 = tpu.memref_slice %arg3[%dma_start3A_19, %dma_start3A_20] : memref<100000x128xf32, #tpu.memory_space<hbm>> -> memref<100000x128xf32, #tpu.memory_space<hbm>>
    tpu.enqueue_indirect_dma source(%dma_start3A_21 : memref<100000x128xf32, #tpu.memory_space<hbm>>) target(%dma_start3A_15 : memref<72x128xf32, #tpu.memory_space<vmem>>) offsets(%dma_start3A_18 : memref<72xi32, #tpu.memory_space<vmem>>) semaphore(%arg10 : memref<!tpu.dma_semaphore, #tpu.memory_space<semaphore_mem>>)
    %dma_start3A_22 = arith.constant 1 : i32
    %dma_start3A_23 = arith.constant 0 : i32
    %dma_start3A_24 = arith.constant 0 : i32
    %dma_start3A_25 = tpu.memref_slice %arg7[%dma_start3A_23, %dma_start3A_24] : memref<200x128xf32, #tpu.memory_space<vmem>> -> memref<128x128xf32, #tpu.memory_space<vmem>>
    %dma_start3A_26 = arith.constant 0 : i32
    %dma_start3A_27 = tpu.memref_slice %arg5[%dma_start3A_22, %dma_start3A_26] : memref<128x200xi32, #tpu.memory_space<vmem>> -> memref<1x128xi32, #tpu.memory_space<vmem>>
    %dma_start3A_28 = tpu.memref_squeeze %dma_start3A_27 : memref<1x128xi32, #tpu.memory_space<vmem>> -> memref<128xi32, #tpu.memory_space<vmem>>
    %dma_start3A_29 = arith.constant 0 : i32
    %dma_start3A_30 = arith.constant 0 : i32
    %dma_start3A_31 = tpu.memref_slice %arg3[%dma_start3A_29, %dma_start3A_30] : memref<100000x128xf32, #tpu.memory_space<hbm>> -> memref<100000x128xf32, #tpu.memory_space<hbm>>
    tpu.enqueue_indirect_dma source(%dma_start3A_31 : memref<100000x128xf32, #tpu.memory_space<hbm>>) target(%dma_start3A_25 : memref<128x128xf32, #tpu.memory_space<vmem>>) offsets(%dma_start3A_28 : memref<128xi32, #tpu.memory_space<vmem>>) semaphore(%arg11 : memref<!tpu.dma_semaphore, #tpu.memory_space<semaphore_mem>>)
    %dma_start3A_32 = arith.constant 1 : i32
    %dma_start3A_33 = arith.constant 128 : i32
    %dma_start3A_34 = arith.constant 0 : i32
    %dma_start3A_35 = tpu.memref_slice %arg7[%dma_start3A_33, %dma_start3A_34] : memref<200x128xf32, #tpu.memory_space<vmem>> -> memref<72x128xf32, #tpu.memory_space<vmem>>
    %dma_start3A_36 = arith.constant 128 : i32
    %dma_start3A_37 = tpu.memref_slice %arg5[%dma_start3A_32, %dma_start3A_36] : memref<128x200xi32, #tpu.memory_space<vmem>> -> memref<1x72xi32, #tpu.memory_space<vmem>>
    %dma_start3A_38 = tpu.memref_squeeze %dma_start3A_37 : memref<1x72xi32, #tpu.memory_space<vmem>> -> memref<72xi32, #tpu.memory_space<vmem>>
    %dma_start3A_39 = arith.constant 0 : i32
    %dma_start3A_40 = arith.constant 0 : i32
    %dma_start3A_41 = tpu.memref_slice %arg3[%dma_start3A_39, %dma_start3A_40] : memref<100000x128xf32, #tpu.memory_space<hbm>> -> memref<100000x128xf32, #tpu.memory_space<hbm>>
    tpu.enqueue_indirect_dma source(%dma_start3A_41 : memref<100000x128xf32, #tpu.memory_space<hbm>>) target(%dma_start3A_35 : memref<72x128xf32, #tpu.memory_space<vmem>>) offsets(%dma_start3A_38 : memref<72xi32, #tpu.memory_space<vmem>>) semaphore(%arg11 : memref<!tpu.dma_semaphore, #tpu.memory_space<semaphore_mem>>)
    %scan3A = arith.constant 0 : i32
    %scan3A_42 = arith.constant 0 : i32
    %scan3A_43 = arith.constant 43 : i32
    %scan3A_44 = arith.addi %scan3A_42, %scan3A_43 : i32
    %scan3A_45 = arith.constant 1 : i32
    %scan3A_46 = scf.for %scan3A_48 = %scan3A_42 to %scan3A_44 step %scan3A_45 iter_args(%scan3A_49 = %scan3A) -> (i32)  : i32 {
      %mul3A_50 = arith.constant 3 : i32
      %mul3A_51 = arith.muli %mul3A_50, %scan3A_48 : i32
      %add3A_52 = arith.constant 0 : i32
      %add3A_53 = arith.addi %mul3A_51, %add3A_52 : i32
      %add3A_54 = arith.constant 3 : i32
      %add3A_55 = arith.addi %add3A_53, %add3A_54 : i32
      %sub3A = arith.constant 1 : i32
      %sub3A_56 = arith.subi %add3A_55, %sub3A : i32
      %lt3A = arith.constant 128 : i32
      %lt3A_57 = arith.cmpi slt, %sub3A_56, %lt3A : i32
      %convert_element_type3A = arith.extui %lt3A_57 : i1 to i32
      %cond3A = arith.constant 0 : i32
      %cond3A_58 = arith.cmpi ne, %convert_element_type3A, %cond3A : i32
      scf.if %cond3A_58 {
        %dma_start3A_97 = arith.constant 0 : i32
        %dma_start3A_98 = arith.constant 0 : i32
        %dma_start3A_99 = tpu.memref_slice %arg8[%dma_start3A_97, %dma_start3A_98] : memref<200x128xf32, #tpu.memory_space<vmem>> -> memref<128x128xf32, #tpu.memory_space<vmem>>
        %dma_start3A_100 = arith.constant 0 : i32
        %dma_start3A_101 = tpu.memref_slice %arg5[%sub3A_56, %dma_start3A_100] : memref<128x200xi32, #tpu.memory_space<vmem>> -> memref<1x128xi32, #tpu.memory_space<vmem>>
        %dma_start3A_102 = tpu.memref_squeeze %dma_start3A_101 : memref<1x128xi32, #tpu.memory_space<vmem>> -> memref<128xi32, #tpu.memory_space<vmem>>
        %dma_start3A_103 = arith.constant 0 : i32
        %dma_start3A_104 = arith.constant 0 : i32
        %dma_start3A_105 = tpu.memref_slice %arg3[%dma_start3A_103, %dma_start3A_104] : memref<100000x128xf32, #tpu.memory_space<hbm>> -> memref<100000x128xf32, #tpu.memory_space<hbm>>
        tpu.enqueue_indirect_dma source(%dma_start3A_105 : memref<100000x128xf32, #tpu.memory_space<hbm>>) target(%dma_start3A_99 : memref<128x128xf32, #tpu.memory_space<vmem>>) offsets(%dma_start3A_102 : memref<128xi32, #tpu.memory_space<vmem>>) semaphore(%arg12 : memref<!tpu.dma_semaphore, #tpu.memory_space<semaphore_mem>>)
        %dma_start3A_106 = arith.constant 128 : i32
        %dma_start3A_107 = arith.constant 0 : i32
        %dma_start3A_108 = tpu.memref_slice %arg8[%dma_start3A_106, %dma_start3A_107] : memref<200x128xf32, #tpu.memory_space<vmem>> -> memref<72x128xf32, #tpu.memory_space<vmem>>
        %dma_start3A_109 = arith.constant 128 : i32
        %dma_start3A_110 = tpu.memref_slice %arg5[%sub3A_56, %dma_start3A_109] : memref<128x200xi32, #tpu.memory_space<vmem>> -> memref<1x72xi32, #tpu.memory_space<vmem>>
        %dma_start3A_111 = tpu.memref_squeeze %dma_start3A_110 : memref<1x72xi32, #tpu.memory_space<vmem>> -> memref<72xi32, #tpu.memory_space<vmem>>
        %dma_start3A_112 = arith.constant 0 : i32
        %dma_start3A_113 = arith.constant 0 : i32
        %dma_start3A_114 = tpu.memref_slice %arg3[%dma_start3A_112, %dma_start3A_113] : memref<100000x128xf32, #tpu.memory_space<hbm>> -> memref<100000x128xf32, #tpu.memory_space<hbm>>
        tpu.enqueue_indirect_dma source(%dma_start3A_114 : memref<100000x128xf32, #tpu.memory_space<hbm>>) target(%dma_start3A_108 : memref<72x128xf32, #tpu.memory_space<vmem>>) offsets(%dma_start3A_111 : memref<72xi32, #tpu.memory_space<vmem>>) semaphore(%arg12 : memref<!tpu.dma_semaphore, #tpu.memory_space<semaphore_mem>>)
      } else {
      }
      %lt3A_59 = arith.constant 128 : i32
      %lt3A_60 = arith.cmpi slt, %add3A_53, %lt3A_59 : i32
      %convert_element_type3A_61 = arith.extui %lt3A_60 : i1 to i32
      %cond3A_62 = arith.constant 0 : i32
      %cond3A_63 = arith.cmpi ne, %convert_element_type3A_61, %cond3A_62 : i32
      scf.if %cond3A_63 {
        %dma_wait3A = arith.constant 0 : i32
        %dma_wait3A_97 = arith.constant 0 : i32
        %dma_wait3A_98 = tpu.memref_slice %arg3[%dma_wait3A, %dma_wait3A_97] : memref<100000x128xf32, #tpu.memory_space<hbm>> -> memref<200x128xf32, #tpu.memory_space<hbm>>
        %dma_wait3A_99 = arith.constant 0 : i32
        %dma_wait3A_100 = arith.constant 0 : i32
        %dma_wait3A_101 = tpu.memref_slice %arg3[%dma_wait3A_99, %dma_wait3A_100] : memref<100000x128xf32, #tpu.memory_space<hbm>> -> memref<200x128xf32, #tpu.memory_space<hbm>>
        tpu.wait_dma2 semaphore(%arg10 : memref<!tpu.dma_semaphore, #tpu.memory_space<semaphore_mem>>) src(%dma_wait3A_101 : memref<200x128xf32, #tpu.memory_space<hbm>>) dst(%arg6 : memref<200x128xf32, #tpu.memory_space<vmem>>)
        %broadcast_in_dim3A = arith.constant 0.000000e+00 : f32
        %broadcast_in_dim3A_102 = vector.broadcast %broadcast_in_dim3A : f32 to vector<16xf32>
        %scan3A_103 = arith.constant 0 : i32
        %scan3A_104 = arith.constant 25 : i32
        %scan3A_105 = arith.addi %scan3A_103, %scan3A_104 : i32
        %scan3A_106 = arith.constant 1 : i32
        %scan3A_107:8 = scf.for %scan3A_132 = %scan3A_103 to %scan3A_105 step %scan3A_106 iter_args(%scan3A_133 = %broadcast_in_dim3A_102, %scan3A_134 = %broadcast_in_dim3A_102, %scan3A_135 = %broadcast_in_dim3A_102, %scan3A_136 = %broadcast_in_dim3A_102, %scan3A_137 = %broadcast_in_dim3A_102, %scan3A_138 = %broadcast_in_dim3A_102, %scan3A_139 = %broadcast_in_dim3A_102, %scan3A_140 = %broadcast_in_dim3A_102) -> (vector<16xf32>, vector<16xf32>, vector<16xf32>, vector<16xf32>, vector<16xf32>, vector<16xf32>, vector<16xf32>, vector<16xf32>)  : i32 {
          %mul3A_141 = arith.constant 8 : i32
          %mul3A_142 = arith.muli %scan3A_132, %mul3A_141 : i32
          %add3A_143 = arith.constant 0 : i32
          %add3A_144 = arith.addi %mul3A_142, %add3A_143 : i32
          %get3A = arith.index_cast %add3A_144 : i32 to index
          %get3A_145 = arith.constant 0 : index
          %get3A_146 = tpu.vector_load %arg6[%get3A, %get3A_145] {strides = array<i32>} : memref<200x128xf32, #tpu.memory_space<vmem>>, vector<16xf32>,
          %add3A_147 = arith.addf %scan3A_133, %get3A_146 : vector<16xf32>
          %add3A_148 = arith.constant 0 : i32
          %add3A_149 = arith.addi %mul3A_142, %add3A_148 : i32
          %get3A_150 = arith.index_cast %add3A_149 : i32 to index
          %get3A_151 = arith.constant 16 : index
          %get3A_152 = tpu.vector_load %arg6[%get3A_150, %get3A_151] {strides = array<i32>} : memref<200x128xf32, #tpu.memory_space<vmem>>, vector<16xf32>,
          %add3A_153 = arith.addf %scan3A_134, %get3A_152 : vector<16xf32>
          %add3A_154 = arith.constant 0 : i32
          %add3A_155 = arith.addi %mul3A_142, %add3A_154 : i32
          %get3A_156 = arith.index_cast %add3A_155 : i32 to index
          %get3A_157 = arith.constant 32 : index
          %get3A_158 = tpu.vector_load %arg6[%get3A_156, %get3A_157] {strides = array<i32>} : memref<200x128xf32, #tpu.memory_space<vmem>>, vector<16xf32>,
          %add3A_159 = arith.addf %scan3A_135, %get3A_158 : vector<16xf32>
          %add3A_160 = arith.constant 0 : i32
          %add3A_161 = arith.addi %mul3A_142, %add3A_160 : i32
          %get3A_162 = arith.index_cast %add3A_161 : i32 to index
          %get3A_163 = arith.constant 48 : index
          %get3A_164 = tpu.vector_load %arg6[%get3A_162, %get3A_163] {strides = array<i32>} : memref<200x128xf32, #tpu.memory_space<vmem>>, vector<16xf32>,
          %add3A_165 = arith.addf %scan3A_136, %get3A_164 : vector<16xf32>
          %add3A_166 = arith.constant 0 : i32
          %add3A_167 = arith.addi %mul3A_142, %add3A_166 : i32
          %get3A_168 = arith.index_cast %add3A_167 : i32 to index
          %get3A_169 = arith.constant 64 : index
          %get3A_170 = tpu.vector_load %arg6[%get3A_168, %get3A_169] {strides = array<i32>} : memref<200x128xf32, #tpu.memory_space<vmem>>, vector<16xf32>,
          %add3A_171 = arith.addf %scan3A_137, %get3A_170 : vector<16xf32>
          %add3A_172 = arith.constant 0 : i32
          %add3A_173 = arith.addi %mul3A_142, %add3A_172 : i32
          %get3A_174 = arith.index_cast %add3A_173 : i32 to index
          %get3A_175 = arith.constant 80 : index
          %get3A_176 = tpu.vector_load %arg6[%get3A_174, %get3A_175] {strides = array<i32>} : memref<200x128xf32, #tpu.memory_space<vmem>>, vector<16xf32>,
          %add3A_177 = arith.addf %scan3A_138, %get3A_176 : vector<16xf32>
          %add3A_178 = arith.constant 0 : i32
          %add3A_179 = arith.addi %mul3A_142, %add3A_178 : i32
          %get3A_180 = arith.index_cast %add3A_179 : i32 to index
          %get3A_181 = arith.constant 96 : index
          %get3A_182 = tpu.vector_load %arg6[%get3A_180, %get3A_181] {strides = array<i32>} : memref<200x128xf32, #tpu.memory_space<vmem>>, vector<16xf32>,
          %add3A_183 = arith.addf %scan3A_139, %get3A_182 : vector<16xf32>
          %add3A_184 = arith.constant 0 : i32
          %add3A_185 = arith.addi %mul3A_142, %add3A_184 : i32
          %get3A_186 = arith.index_cast %add3A_185 : i32 to index
          %get3A_187 = arith.constant 112 : index
          %get3A_188 = tpu.vector_load %arg6[%get3A_186, %get3A_187] {strides = array<i32>} : memref<200x128xf32, #tpu.memory_space<vmem>>, vector<16xf32>,
          %add3A_189 = arith.addf %scan3A_140, %get3A_188 : vector<16xf32>
          %add3A_190 = arith.constant 1 : i32
          %add3A_191 = arith.addi %mul3A_142, %add3A_190 : i32
          %get3A_192 = arith.index_cast %add3A_191 : i32 to index
          %get3A_193 = arith.constant 0 : index
          %get3A_194 = tpu.vector_load %arg6[%get3A_192, %get3A_193] {strides = array<i32>} : memref<200x128xf32, #tpu.memory_space<vmem>>, vector<16xf32>,
          %add3A_195 = arith.addf %add3A_147, %get3A_194 : vector<16xf32>
          %add3A_196 = arith.constant 1 : i32
          %add3A_197 = arith.addi %mul3A_142, %add3A_196 : i32
          %get3A_198 = arith.index_cast %add3A_197 : i32 to index
          %get3A_199 = arith.constant 16 : index
          %get3A_200 = tpu.vector_load %arg6[%get3A_198, %get3A_199] {strides = array<i32>} : memref<200x128xf32, #tpu.memory_space<vmem>>, vector<16xf32>,
          %add3A_201 = arith.addf %add3A_153, %get3A_200 : vector<16xf32>
          %add3A_202 = arith.constant 1 : i32
          %add3A_203 = arith.addi %mul3A_142, %add3A_202 : i32
          %get3A_204 = arith.index_cast %add3A_203 : i32 to index
          %get3A_205 = arith.constant 32 : index
          %get3A_206 = tpu.vector_load %arg6[%get3A_204, %get3A_205] {strides = array<i32>} : memref<200x128xf32, #tpu.memory_space<vmem>>, vector<16xf32>,
          %add3A_207 = arith.addf %add3A_159, %get3A_206 : vector<16xf32>
          %add3A_208 = arith.constant 1 : i32
          %add3A_209 = arith.addi %mul3A_142, %add3A_208 : i32
          %get3A_210 = arith.index_cast %add3A_209 : i32 to index
          %get3A_211 = arith.constant 48 : index
          %get3A_212 = tpu.vector_load %arg6[%get3A_210, %get3A_211] {strides = array<i32>} : memref<200x128xf32, #tpu.memory_space<vmem>>, vector<16xf32>,
          %add3A_213 = arith.addf %add3A_165, %get3A_212 : vector<16xf32>
          %add3A_214 = arith.constant 1 : i32
          %add3A_215 = arith.addi %mul3A_142, %add3A_214 : i32
          %get3A_216 = arith.index_cast %add3A_215 : i32 to index
          %get3A_217 = arith.constant 64 : index
          %get3A_218 = tpu.vector_load %arg6[%get3A_216, %get3A_217] {strides = array<i32>} : memref<200x128xf32, #tpu.memory_space<vmem>>, vector<16xf32>,
          %add3A_219 = arith.addf %add3A_171, %get3A_218 : vector<16xf32>
          %add3A_220 = arith.constant 1 : i32
          %add3A_221 = arith.addi %mul3A_142, %add3A_220 : i32
          %get3A_222 = arith.index_cast %add3A_221 : i32 to index
          %get3A_223 = arith.constant 80 : index
          %get3A_224 = tpu.vector_load %arg6[%get3A_222, %get3A_223] {strides = array<i32>} : memref<200x128xf32, #tpu.memory_space<vmem>>, vector<16xf32>,
          %add3A_225 = arith.addf %add3A_177, %get3A_224 : vector<16xf32>
          %add3A_226 = arith.constant 1 : i32
          %add3A_227 = arith.addi %mul3A_142, %add3A_226 : i32
          %get3A_228 = arith.index_cast %add3A_227 : i32 to index
          %get3A_229 = arith.constant 96 : index
          %get3A_230 = tpu.vector_load %arg6[%get3A_228, %get3A_229] {strides = array<i32>} : memref<200x128xf32, #tpu.memory_space<vmem>>, vector<16xf32>,
          %add3A_231 = arith.addf %add3A_183, %get3A_230 : vector<16xf32>
          %add3A_232 = arith.constant 1 : i32
          %add3A_233 = arith.addi %mul3A_142, %add3A_232 : i32
          %get3A_234 = arith.index_cast %add3A_233 : i32 to index
          %get3A_235 = arith.constant 112 : index
          %get3A_236 = tpu.vector_load %arg6[%get3A_234, %get3A_235] {strides = array<i32>} : memref<200x128xf32, #tpu.memory_space<vmem>>, vector<16xf32>,
          %add3A_237 = arith.addf %add3A_189, %get3A_236 : vector<16xf32>
          %add3A_238 = arith.constant 2 : i32
          %add3A_239 = arith.addi %mul3A_142, %add3A_238 : i32
          %get3A_240 = arith.index_cast %add3A_239 : i32 to index
          %get3A_241 = arith.constant 0 : index
          %get3A_242 = tpu.vector_load %arg6[%get3A_240, %get3A_241] {strides = array<i32>} : memref<200x128xf32, #tpu.memory_space<vmem>>, vector<16xf32>,
          %add3A_243 = arith.addf %add3A_195, %get3A_242 : vector<16xf32>
          %add3A_244 = arith.constant 2 : i32
          %add3A_245 = arith.addi %mul3A_142, %add3A_244 : i32
          %get3A_246 = arith.index_cast %add3A_245 : i32 to index
          %get3A_247 = arith.constant 16 : index
          %get3A_248 = tpu.vector_load %arg6[%get3A_246, %get3A_247] {strides = array<i32>} : memref<200x128xf32, #tpu.memory_space<vmem>>, vector<16xf32>,
          %add3A_249 = arith.addf %add3A_201, %get3A_248 : vector<16xf32>
          %add3A_250 = arith.constant 2 : i32
          %add3A_251 = arith.addi %mul3A_142, %add3A_250 : i32
          %get3A_252 = arith.index_cast %add3A_251 : i32 to index
          %get3A_253 = arith.constant 32 : index
          %get3A_254 = tpu.vector_load %arg6[%get3A_252, %get3A_253] {strides = array<i32>} : memref<200x128xf32, #tpu.memory_space<vmem>>, vector<16xf32>,
          %add3A_255 = arith.addf %add3A_207, %get3A_254 : vector<16xf32>
          %add3A_256 = arith.constant 2 : i32
          %add3A_257 = arith.addi %mul3A_142, %add3A_256 : i32
          %get3A_258 = arith.index_cast %add3A_257 : i32 to index
          %get3A_259 = arith.constant 48 : index
          %get3A_260 = tpu.vector_load %arg6[%get3A_258, %get3A_259] {strides = array<i32>} : memref<200x128xf32, #tpu.memory_space<vmem>>, vector<16xf32>,
          %add3A_261 = arith.addf %add3A_213, %get3A_260 : vector<16xf32>
          %add3A_262 = arith.constant 2 : i32
          %add3A_263 = arith.addi %mul3A_142, %add3A_262 : i32
          %get3A_264 = arith.index_cast %add3A_263 : i32 to index
          %get3A_265 = arith.constant 64 : index
          %get3A_266 = tpu.vector_load %arg6[%get3A_264, %get3A_265] {strides = array<i32>} : memref<200x128xf32, #tpu.memory_space<vmem>>, vector<16xf32>,
          %add3A_267 = arith.addf %add3A_219, %get3A_266 : vector<16xf32>
          %add3A_268 = arith.constant 2 : i32
          %add3A_269 = arith.addi %mul3A_142, %add3A_268 : i32
          %get3A_270 = arith.index_cast %add3A_269 : i32 to index
          %get3A_271 = arith.constant 80 : index
          %get3A_272 = tpu.vector_load %arg6[%get3A_270, %get3A_271] {strides = array<i32>} : memref<200x128xf32, #tpu.memory_space<vmem>>, vector<16xf32>,
          %add3A_273 = arith.addf %add3A_225, %get3A_272 : vector<16xf32>
          %add3A_274 = arith.constant 2 : i32
          %add3A_275 = arith.addi %mul3A_142, %add3A_274 : i32
          %get3A_276 = arith.index_cast %add3A_275 : i32 to index
          %get3A_277 = arith.constant 96 : index
          %get3A_278 = tpu.vector_load %arg6[%get3A_276, %get3A_277] {strides = array<i32>} : memref<200x128xf32, #tpu.memory_space<vmem>>, vector<16xf32>,
          %add3A_279 = arith.addf %add3A_231, %get3A_278 : vector<16xf32>
          %add3A_280 = arith.constant 2 : i32
          %add3A_281 = arith.addi %mul3A_142, %add3A_280 : i32
          %get3A_282 = arith.index_cast %add3A_281 : i32 to index
          %get3A_283 = arith.constant 112 : index
          %get3A_284 = tpu.vector_load %arg6[%get3A_282, %get3A_283] {strides = array<i32>} : memref<200x128xf32, #tpu.memory_space<vmem>>, vector<16xf32>,
          %add3A_285 = arith.addf %add3A_237, %get3A_284 : vector<16xf32>
          %add3A_286 = arith.constant 3 : i32
          %add3A_287 = arith.addi %mul3A_142, %add3A_286 : i32
          %get3A_288 = arith.index_cast %add3A_287 : i32 to index
          %get3A_289 = arith.constant 0 : index
          %get3A_290 = tpu.vector_load %arg6[%get3A_288, %get3A_289] {strides = array<i32>} : memref<200x128xf32, #tpu.memory_space<vmem>>, vector<16xf32>,
          %add3A_291 = arith.addf %add3A_243, %get3A_290 : vector<16xf32>
          %add3A_292 = arith.constant 3 : i32
          %add3A_293 = arith.addi %mul3A_142, %add3A_292 : i32
          %get3A_294 = arith.index_cast %add3A_293 : i32 to index
          %get3A_295 = arith.constant 16 : index
          %get3A_296 = tpu.vector_load %arg6[%get3A_294, %get3A_295] {strides = array<i32>} : memref<200x128xf32, #tpu.memory_space<vmem>>, vector<16xf32>,
          %add3A_297 = arith.addf %add3A_249, %get3A_296 : vector<16xf32>
          %add3A_298 = arith.constant 3 : i32
          %add3A_299 = arith.addi %mul3A_142, %add3A_298 : i32
          %get3A_300 = arith.index_cast %add3A_299 : i32 to index
          %get3A_301 = arith.constant 32 : index
          %get3A_302 = tpu.vector_load %arg6[%get3A_300, %get3A_301] {strides = array<i32>} : memref<200x128xf32, #tpu.memory_space<vmem>>, vector<16xf32>,
          %add3A_303 = arith.addf %add3A_255, %get3A_302 : vector<16xf32>
          %add3A_304 = arith.constant 3 : i32
          %add3A_305 = arith.addi %mul3A_142, %add3A_304 : i32
          %get3A_306 = arith.index_cast %add3A_305 : i32 to index
          %get3A_307 = arith.constant 48 : index
          %get3A_308 = tpu.vector_load %arg6[%get3A_306, %get3A_307] {strides = array<i32>} : memref<200x128xf32, #tpu.memory_space<vmem>>, vector<16xf32>,
          %add3A_309 = arith.addf %add3A_261, %get3A_308 : vector<16xf32>
          %add3A_310 = arith.constant 3 : i32
          %add3A_311 = arith.addi %mul3A_142, %add3A_310 : i32
          %get3A_312 = arith.index_cast %add3A_311 : i32 to index
          %get3A_313 = arith.constant 64 : index
          %get3A_314 = tpu.vector_load %arg6[%get3A_312, %get3A_313] {strides = array<i32>} : memref<200x128xf32, #tpu.memory_space<vmem>>, vector<16xf32>,
          %add3A_315 = arith.addf %add3A_267, %get3A_314 : vector<16xf32>
          %add3A_316 = arith.constant 3 : i32
          %add3A_317 = arith.addi %mul3A_142, %add3A_316 : i32
          %get3A_318 = arith.index_cast %add3A_317 : i32 to index
          %get3A_319 = arith.constant 80 : index
          %get3A_320 = tpu.vector_load %arg6[%get3A_318, %get3A_319] {strides = array<i32>} : memref<200x128xf32, #tpu.memory_space<vmem>>, vector<16xf32>,
          %add3A_321 = arith.addf %add3A_273, %get3A_320 : vector<16xf32>
          %add3A_322 = arith.constant 3 : i32
          %add3A_323 = arith.addi %mul3A_142, %add3A_322 : i32
          %get3A_324 = arith.index_cast %add3A_323 : i32 to index
          %get3A_325 = arith.constant 96 : index
          %get3A_326 = tpu.vector_load %arg6[%get3A_324, %get3A_325] {strides = array<i32>} : memref<200x128xf32, #tpu.memory_space<vmem>>, vector<16xf32>,
          %add3A_327 = arith.addf %add3A_279, %get3A_326 : vector<16xf32>
          %add3A_328 = arith.constant 3 : i32
          %add3A_329 = arith.addi %mul3A_142, %add3A_328 : i32
          %get3A_330 = arith.index_cast %add3A_329 : i32 to index
          %get3A_331 = arith.constant 112 : index
          %get3A_332 = tpu.vector_load %arg6[%get3A_330, %get3A_331] {strides = array<i32>} : memref<200x128xf32, #tpu.memory_space<vmem>>, vector<16xf32>,
          %add3A_333 = arith.addf %add3A_285, %get3A_332 : vector<16xf32>
          %add3A_334 = arith.constant 4 : i32
          %add3A_335 = arith.addi %mul3A_142, %add3A_334 : i32
          %get3A_336 = arith.index_cast %add3A_335 : i32 to index
          %get3A_337 = arith.constant 0 : index
          %get3A_338 = tpu.vector_load %arg6[%get3A_336, %get3A_337] {strides = array<i32>} : memref<200x128xf32, #tpu.memory_space<vmem>>, vector<16xf32>,
          %add3A_339 = arith.addf %add3A_291, %get3A_338 : vector<16xf32>
          %add3A_340 = arith.constant 4 : i32
          %add3A_341 = arith.addi %mul3A_142, %add3A_340 : i32
          %get3A_342 = arith.index_cast %add3A_341 : i32 to index
          %get3A_343 = arith.constant 16 : index
          %get3A_344 = tpu.vector_load %arg6[%get3A_342, %get3A_343] {strides = array<i32>} : memref<200x128xf32, #tpu.memory_space<vmem>>, vector<16xf32>,
          %add3A_345 = arith.addf %add3A_297, %get3A_344 : vector<16xf32>
          %add3A_346 = arith.constant 4 : i32
          %add3A_347 = arith.addi %mul3A_142, %add3A_346 : i32
          %get3A_348 = arith.index_cast %add3A_347 : i32 to index
          %get3A_349 = arith.constant 32 : index
          %get3A_350 = tpu.vector_load %arg6[%get3A_348, %get3A_349] {strides = array<i32>} : memref<200x128xf32, #tpu.memory_space<vmem>>, vector<16xf32>,
          %add3A_351 = arith.addf %add3A_303, %get3A_350 : vector<16xf32>
          %add3A_352 = arith.constant 4 : i32
          %add3A_353 = arith.addi %mul3A_142, %add3A_352 : i32
          %get3A_354 = arith.index_cast %add3A_353 : i32 to index
          %get3A_355 = arith.constant 48 : index
          %get3A_356 = tpu.vector_load %arg6[%get3A_354, %get3A_355] {strides = array<i32>} : memref<200x128xf32, #tpu.memory_space<vmem>>, vector<16xf32>,
          %add3A_357 = arith.addf %add3A_309, %get3A_356 : vector<16xf32>
          %add3A_358 = arith.constant 4 : i32
          %add3A_359 = arith.addi %mul3A_142, %add3A_358 : i32
          %get3A_360 = arith.index_cast %add3A_359 : i32 to index
          %get3A_361 = arith.constant 64 : index
          %get3A_362 = tpu.vector_load %arg6[%get3A_360, %get3A_361] {strides = array<i32>} : memref<200x128xf32, #tpu.memory_space<vmem>>, vector<16xf32>,
          %add3A_363 = arith.addf %add3A_315, %get3A_362 : vector<16xf32>
          %add3A_364 = arith.constant 4 : i32
          %add3A_365 = arith.addi %mul3A_142, %add3A_364 : i32
          %get3A_366 = arith.index_cast %add3A_365 : i32 to index
          %get3A_367 = arith.constant 80 : index
          %get3A_368 = tpu.vector_load %arg6[%get3A_366, %get3A_367] {strides = array<i32>} : memref<200x128xf32, #tpu.memory_space<vmem>>, vector<16xf32>,
          %add3A_369 = arith.addf %add3A_321, %get3A_368 : vector<16xf32>
          %add3A_370 = arith.constant 4 : i32
          %add3A_371 = arith.addi %mul3A_142, %add3A_370 : i32
          %get3A_372 = arith.index_cast %add3A_371 : i32 to index
          %get3A_373 = arith.constant 96 : index
          %get3A_374 = tpu.vector_load %arg6[%get3A_372, %get3A_373] {strides = array<i32>} : memref<200x128xf32, #tpu.memory_space<vmem>>, vector<16xf32>,
          %add3A_375 = arith.addf %add3A_327, %get3A_374 : vector<16xf32>
          %add3A_376 = arith.constant 4 : i32
          %add3A_377 = arith.addi %mul3A_142, %add3A_376 : i32
          %get3A_378 = arith.index_cast %add3A_377 : i32 to index
          %get3A_379 = arith.constant 112 : index
          %get3A_380 = tpu.vector_load %arg6[%get3A_378, %get3A_379] {strides = array<i32>} : memref<200x128xf32, #tpu.memory_space<vmem>>, vector<16xf32>,
          %add3A_381 = arith.addf %add3A_333, %get3A_380 : vector<16xf32>
          %add3A_382 = arith.constant 5 : i32
          %add3A_383 = arith.addi %mul3A_142, %add3A_382 : i32
          %get3A_384 = arith.index_cast %add3A_383 : i32 to index
          %get3A_385 = arith.constant 0 : index
          %get3A_386 = tpu.vector_load %arg6[%get3A_384, %get3A_385] {strides = array<i32>} : memref<200x128xf32, #tpu.memory_space<vmem>>, vector<16xf32>,
          %add3A_387 = arith.addf %add3A_339, %get3A_386 : vector<16xf32>
          %add3A_388 = arith.constant 5 : i32
          %add3A_389 = arith.addi %mul3A_142, %add3A_388 : i32
          %get3A_390 = arith.index_cast %add3A_389 : i32 to index
          %get3A_391 = arith.constant 16 : index
          %get3A_392 = tpu.vector_load %arg6[%get3A_390, %get3A_391] {strides = array<i32>} : memref<200x128xf32, #tpu.memory_space<vmem>>, vector<16xf32>,
          %add3A_393 = arith.addf %add3A_345, %get3A_392 : vector<16xf32>
          %add3A_394 = arith.constant 5 : i32
          %add3A_395 = arith.addi %mul3A_142, %add3A_394 : i32
          %get3A_396 = arith.index_cast %add3A_395 : i32 to index
          %get3A_397 = arith.constant 32 : index
          %get3A_398 = tpu.vector_load %arg6[%get3A_396, %get3A_397] {strides = array<i32>} : memref<200x128xf32, #tpu.memory_space<vmem>>, vector<16xf32>,
          %add3A_399 = arith.addf %add3A_351, %get3A_398 : vector<16xf32>
          %add3A_400 = arith.constant 5 : i32
          %add3A_401 = arith.addi %mul3A_142, %add3A_400 : i32
          %get3A_402 = arith.index_cast %add3A_401 : i32 to index
          %get3A_403 = arith.constant 48 : index
          %get3A_404 = tpu.vector_load %arg6[%get3A_402, %get3A_403] {strides = array<i32>} : memref<200x128xf32, #tpu.memory_space<vmem>>, vector<16xf32>,
          %add3A_405 = arith.addf %add3A_357, %get3A_404 : vector<16xf32>
          %add3A_406 = arith.constant 5 : i32
          %add3A_407 = arith.addi %mul3A_142, %add3A_406 : i32
          %get3A_408 = arith.index_cast %add3A_407 : i32 to index
          %get3A_409 = arith.constant 64 : index
          %get3A_410 = tpu.vector_load %arg6[%get3A_408, %get3A_409] {strides = array<i32>} : memref<200x128xf32, #tpu.memory_space<vmem>>, vector<16xf32>,
          %add3A_411 = arith.addf %add3A_363, %get3A_410 : vector<16xf32>
          %add3A_412 = arith.constant 5 : i32
          %add3A_413 = arith.addi %mul3A_142, %add3A_412 : i32
          %get3A_414 = arith.index_cast %add3A_413 : i32 to index
          %get3A_415 = arith.constant 80 : index
          %get3A_416 = tpu.vector_load %arg6[%get3A_414, %get3A_415] {strides = array<i32>} : memref<200x128xf32, #tpu.memory_space<vmem>>, vector<16xf32>,
          %add3A_417 = arith.addf %add3A_369, %get3A_416 : vector<16xf32>
          %add3A_418 = arith.constant 5 : i32
          %add3A_419 = arith.addi %mul3A_142, %add3A_418 : i32
          %get3A_420 = arith.index_cast %add3A_419 : i32 to index
          %get3A_421 = arith.constant 96 : index
          %get3A_422 = tpu.vector_load %arg6[%get3A_420, %get3A_421] {strides = array<i32>} : memref<200x128xf32, #tpu.memory_space<vmem>>, vector<16xf32>,
          %add3A_423 = arith.addf %add3A_375, %get3A_422 : vector<16xf32>
          %add3A_424 = arith.constant 5 : i32
          %add3A_425 = arith.addi %mul3A_142, %add3A_424 : i32
          %get3A_426 = arith.index_cast %add3A_425 : i32 to index
          %get3A_427 = arith.constant 112 : index
          %get3A_428 = tpu.vector_load %arg6[%get3A_426, %get3A_427] {strides = array<i32>} : memref<200x128xf32, #tpu.memory_space<vmem>>, vector<16xf32>,
          %add3A_429 = arith.addf %add3A_381, %get3A_428 : vector<16xf32>
          %add3A_430 = arith.constant 6 : i32
          %add3A_431 = arith.addi %mul3A_142, %add3A_430 : i32
          %get3A_432 = arith.index_cast %add3A_431 : i32 to index
          %get3A_433 = arith.constant 0 : index
          %get3A_434 = tpu.vector_load %arg6[%get3A_432, %get3A_433] {strides = array<i32>} : memref<200x128xf32, #tpu.memory_space<vmem>>, vector<16xf32>,
          %add3A_435 = arith.addf %add3A_387, %get3A_434 : vector<16xf32>
          %add3A_436 = arith.constant 6 : i32
          %add3A_437 = arith.addi %mul3A_142, %add3A_436 : i32
          %get3A_438 = arith.index_cast %add3A_437 : i32 to index
          %get3A_439 = arith.constant 16 : index
          %get3A_440 = tpu.vector_load %arg6[%get3A_438, %get3A_439] {strides = array<i32>} : memref<200x128xf32, #tpu.memory_space<vmem>>, vector<16xf32>,
          %add3A_441 = arith.addf %add3A_393, %get3A_440 : vector<16xf32>
          %add3A_442 = arith.constant 6 : i32
          %add3A_443 = arith.addi %mul3A_142, %add3A_442 : i32
          %get3A_444 = arith.index_cast %add3A_443 : i32 to index
          %get3A_445 = arith.constant 32 : index
          %get3A_446 = tpu.vector_load %arg6[%get3A_444, %get3A_445] {strides = array<i32>} : memref<200x128xf32, #tpu.memory_space<vmem>>, vector<16xf32>,
          %add3A_447 = arith.addf %add3A_399, %get3A_446 : vector<16xf32>
          %add3A_448 = arith.constant 6 : i32
          %add3A_449 = arith.addi %mul3A_142, %add3A_448 : i32
          %get3A_450 = arith.index_cast %add3A_449 : i32 to index
          %get3A_451 = arith.constant 48 : index
          %get3A_452 = tpu.vector_load %arg6[%get3A_450, %get3A_451] {strides = array<i32>} : memref<200x128xf32, #tpu.memory_space<vmem>>, vector<16xf32>,
          %add3A_453 = arith.addf %add3A_405, %get3A_452 : vector<16xf32>
          %add3A_454 = arith.constant 6 : i32
          %add3A_455 = arith.addi %mul3A_142, %add3A_454 : i32
          %get3A_456 = arith.index_cast %add3A_455 : i32 to index
          %get3A_457 = arith.constant 64 : index
          %get3A_458 = tpu.vector_load %arg6[%get3A_456, %get3A_457] {strides = array<i32>} : memref<200x128xf32, #tpu.memory_space<vmem>>, vector<16xf32>,
          %add3A_459 = arith.addf %add3A_411, %get3A_458 : vector<16xf32>
          %add3A_460 = arith.constant 6 : i32
          %add3A_461 = arith.addi %mul3A_142, %add3A_460 : i32
          %get3A_462 = arith.index_cast %add3A_461 : i32 to index
          %get3A_463 = arith.constant 80 : index
          %get3A_464 = tpu.vector_load %arg6[%get3A_462, %get3A_463] {strides = array<i32>} : memref<200x128xf32, #tpu.memory_space<vmem>>, vector<16xf32>,
          %add3A_465 = arith.addf %add3A_417, %get3A_464 : vector<16xf32>
          %add3A_466 = arith.constant 6 : i32
          %add3A_467 = arith.addi %mul3A_142, %add3A_466 : i32
          %get3A_468 = arith.index_cast %add3A_467 : i32 to index
          %get3A_469 = arith.constant 96 : index
          %get3A_470 = tpu.vector_load %arg6[%get3A_468, %get3A_469] {strides = array<i32>} : memref<200x128xf32, #tpu.memory_space<vmem>>, vector<16xf32>,
          %add3A_471 = arith.addf %add3A_423, %get3A_470 : vector<16xf32>
          %add3A_472 = arith.constant 6 : i32
          %add3A_473 = arith.addi %mul3A_142, %add3A_472 : i32
          %get3A_474 = arith.index_cast %add3A_473 : i32 to index
          %get3A_475 = arith.constant 112 : index
          %get3A_476 = tpu.vector_load %arg6[%get3A_474, %get3A_475] {strides = array<i32>} : memref<200x128xf32, #tpu.memory_space<vmem>>, vector<16xf32>,
          %add3A_477 = arith.addf %add3A_429, %get3A_476 : vector<16xf32>
          %add3A_478 = arith.constant 7 : i32
          %add3A_479 = arith.addi %mul3A_142, %add3A_478 : i32
          %get3A_480 = arith.index_cast %add3A_479 : i32 to index
          %get3A_481 = arith.constant 0 : index
          %get3A_482 = tpu.vector_load %arg6[%get3A_480, %get3A_481] {strides = array<i32>} : memref<200x128xf32, #tpu.memory_space<vmem>>, vector<16xf32>,
          %add3A_483 = arith.addf %add3A_435, %get3A_482 : vector<16xf32>
          %add3A_484 = arith.constant 7 : i32
          %add3A_485 = arith.addi %mul3A_142, %add3A_484 : i32
          %get3A_486 = arith.index_cast %add3A_485 : i32 to index
          %get3A_487 = arith.constant 16 : index
          %get3A_488 = tpu.vector_load %arg6[%get3A_486, %get3A_487] {strides = array<i32>} : memref<200x128xf32, #tpu.memory_space<vmem>>, vector<16xf32>,
          %add3A_489 = arith.addf %add3A_441, %get3A_488 : vector<16xf32>
          %add3A_490 = arith.constant 7 : i32
          %add3A_491 = arith.addi %mul3A_142, %add3A_490 : i32
          %get3A_492 = arith.index_cast %add3A_491 : i32 to index
          %get3A_493 = arith.constant 32 : index
          %get3A_494 = tpu.vector_load %arg6[%get3A_492, %get3A_493] {strides = array<i32>} : memref<200x128xf32, #tpu.memory_space<vmem>>, vector<16xf32>,
          %add3A_495 = arith.addf %add3A_447, %get3A_494 : vector<16xf32>
          %add3A_496 = arith.constant 7 : i32
          %add3A_497 = arith.addi %mul3A_142, %add3A_496 : i32
          %get3A_498 = arith.index_cast %add3A_497 : i32 to index
          %get3A_499 = arith.constant 48 : index
          %get3A_500 = tpu.vector_load %arg6[%get3A_498, %get3A_499] {strides = array<i32>} : memref<200x128xf32, #tpu.memory_space<vmem>>, vector<16xf32>,
          %add3A_501 = arith.addf %add3A_453, %get3A_500 : vector<16xf32>
          %add3A_502 = arith.constant 7 : i32
          %add3A_503 = arith.addi %mul3A_142, %add3A_502 : i32
          %get3A_504 = arith.index_cast %add3A_503 : i32 to index
          %get3A_505 = arith.constant 64 : index
          %get3A_506 = tpu.vector_load %arg6[%get3A_504, %get3A_505] {strides = array<i32>} : memref<200x128xf32, #tpu.memory_space<vmem>>, vector<16xf32>,
          %add3A_507 = arith.addf %add3A_459, %get3A_506 : vector<16xf32>
          %add3A_508 = arith.constant 7 : i32
          %add3A_509 = arith.addi %mul3A_142, %add3A_508 : i32
          %get3A_510 = arith.index_cast %add3A_509 : i32 to index
          %get3A_511 = arith.constant 80 : index
          %get3A_512 = tpu.vector_load %arg6[%get3A_510, %get3A_511] {strides = array<i32>} : memref<200x128xf32, #tpu.memory_space<vmem>>, vector<16xf32>,
          %add3A_513 = arith.addf %add3A_465, %get3A_512 : vector<16xf32>
          %add3A_514 = arith.constant 7 : i32
          %add3A_515 = arith.addi %mul3A_142, %add3A_514 : i32
          %get3A_516 = arith.index_cast %add3A_515 : i32 to index
          %get3A_517 = arith.constant 96 : index
          %get3A_518 = tpu.vector_load %arg6[%get3A_516, %get3A_517] {strides = array<i32>} : memref<200x128xf32, #tpu.memory_space<vmem>>, vector<16xf32>,
          %add3A_519 = arith.addf %add3A_471, %get3A_518 : vector<16xf32>
          %add3A_520 = arith.constant 7 : i32
          %add3A_521 = arith.addi %mul3A_142, %add3A_520 : i32
          %get3A_522 = arith.index_cast %add3A_521 : i32 to index
          %get3A_523 = arith.constant 112 : index
          %get3A_524 = tpu.vector_load %arg6[%get3A_522, %get3A_523] {strides = array<i32>} : memref<200x128xf32, #tpu.memory_space<vmem>>, vector<16xf32>,
          %add3A_525 = arith.addf %add3A_477, %get3A_524 : vector<16xf32>
          scf.yield %add3A_483, %add3A_489, %add3A_495, %add3A_501, %add3A_507, %add3A_513, %add3A_519, %add3A_525 : vector<16xf32>, vector<16xf32>, vector<16xf32>, vector<16xf32>, vector<16xf32>, vector<16xf32>, vector<16xf32>, vector<16xf32>
        }
        %scan3A_108 = arith.constant 25 : i32
        %swap3A = arith.index_cast %add3A_53 : i32 to index
        %swap3A_109 = arith.constant 0 : index
        %swap3A_110 = tpu.vector_load %arg9[%swap3A, %swap3A_109] {strides = array<i32>} : memref<128x128xf32, #tpu.memory_space<vmem>>, vector<16xf32>,
        tpu.vector_store %arg9[%swap3A, %swap3A_109], %scan3A_107#0 {strides = array<i32>} : memref<128x128xf32, #tpu.memory_space<vmem>>, vector<16xf32>,
        %swap3A_111 = arith.index_cast %add3A_53 : i32 to index
        %swap3A_112 = arith.constant 16 : index
        %swap3A_113 = tpu.vector_load %arg9[%swap3A_111, %swap3A_112] {strides = array<i32>} : memref<128x128xf32, #tpu.memory_space<vmem>>, vector<16xf32>,
        tpu.vector_store %arg9[%swap3A_111, %swap3A_112], %scan3A_107#1 {strides = array<i32>} : memref<128x128xf32, #tpu.memory_space<vmem>>, vector<16xf32>,
        %swap3A_114 = arith.index_cast %add3A_53 : i32 to index
        %swap3A_115 = arith.constant 32 : index
        %swap3A_116 = tpu.vector_load %arg9[%swap3A_114, %swap3A_115] {strides = array<i32>} : memref<128x128xf32, #tpu.memory_space<vmem>>, vector<16xf32>,
        tpu.vector_store %arg9[%swap3A_114, %swap3A_115], %scan3A_107#2 {strides = array<i32>} : memref<128x128xf32, #tpu.memory_space<vmem>>, vector<16xf32>,
        %swap3A_117 = arith.index_cast %add3A_53 : i32 to index
        %swap3A_118 = arith.constant 48 : index
        %swap3A_119 = tpu.vector_load %arg9[%swap3A_117, %swap3A_118] {strides = array<i32>} : memref<128x128xf32, #tpu.memory_space<vmem>>, vector<16xf32>,
        tpu.vector_store %arg9[%swap3A_117, %swap3A_118], %scan3A_107#3 {strides = array<i32>} : memref<128x128xf32, #tpu.memory_space<vmem>>, vector<16xf32>,
        %swap3A_120 = arith.index_cast %add3A_53 : i32 to index
        %swap3A_121 = arith.constant 64 : index
        %swap3A_122 = tpu.vector_load %arg9[%swap3A_120, %swap3A_121] {strides = array<i32>} : memref<128x128xf32, #tpu.memory_space<vmem>>, vector<16xf32>,
        tpu.vector_store %arg9[%swap3A_120, %swap3A_121], %scan3A_107#4 {strides = array<i32>} : memref<128x128xf32, #tpu.memory_space<vmem>>, vector<16xf32>,
        %swap3A_123 = arith.index_cast %add3A_53 : i32 to index
        %swap3A_124 = arith.constant 80 : index
        %swap3A_125 = tpu.vector_load %arg9[%swap3A_123, %swap3A_124] {strides = array<i32>} : memref<128x128xf32, #tpu.memory_space<vmem>>, vector<16xf32>,
        tpu.vector_store %arg9[%swap3A_123, %swap3A_124], %scan3A_107#5 {strides = array<i32>} : memref<128x128xf32, #tpu.memory_space<vmem>>, vector<16xf32>,
        %swap3A_126 = arith.index_cast %add3A_53 : i32 to index
        %swap3A_127 = arith.constant 96 : index
        %swap3A_128 = tpu.vector_load %arg9[%swap3A_126, %swap3A_127] {strides = array<i32>} : memref<128x128xf32, #tpu.memory_space<vmem>>, vector<16xf32>,
        tpu.vector_store %arg9[%swap3A_126, %swap3A_127], %scan3A_107#6 {strides = array<i32>} : memref<128x128xf32, #tpu.memory_space<vmem>>, vector<16xf32>,
        %swap3A_129 = arith.index_cast %add3A_53 : i32 to index
        %swap3A_130 = arith.constant 112 : index
        %swap3A_131 = tpu.vector_load %arg9[%swap3A_129, %swap3A_130] {strides = array<i32>} : memref<128x128xf32, #tpu.memory_space<vmem>>, vector<16xf32>,
        tpu.vector_store %arg9[%swap3A_129, %swap3A_130], %scan3A_107#7 {strides = array<i32>} : memref<128x128xf32, #tpu.memory_space<vmem>>, vector<16xf32>,
      } else {
      }
      %add3A_64 = arith.constant 1 : i32
      %add3A_65 = arith.addi %mul3A_51, %add3A_64 : i32
      %add3A_66 = arith.constant 3 : i32
      %add3A_67 = arith.addi %add3A_65, %add3A_66 : i32
      %sub3A_68 = arith.constant 1 : i32
      %sub3A_69 = arith.subi %add3A_67, %sub3A_68 : i32
      %lt3A_70 = arith.constant 128 : i32
      %lt3A_71 = arith.cmpi slt, %sub3A_69, %lt3A_70 : i32
      %convert_element_type3A_72 = arith.extui %lt3A_71 : i1 to i32
      %cond3A_73 = arith.constant 0 : i32
      %cond3A_74 = arith.cmpi ne, %convert_element_type3A_72, %cond3A_73 : i32
      scf.if %cond3A_74 {
        %dma_start3A_97 = arith.constant 0 : i32
        %dma_start3A_98 = arith.constant 0 : i32
        %dma_start3A_99 = tpu.memref_slice %arg6[%dma_start3A_97, %dma_start3A_98] : memref<200x128xf32, #tpu.memory_space<vmem>> -> memref<128x128xf32, #tpu.memory_space<vmem>>
        %dma_start3A_100 = arith.constant 0 : i32
        %dma_start3A_101 = tpu.memref_slice %arg5[%sub3A_69, %dma_start3A_100] : memref<128x200xi32, #tpu.memory_space<vmem>> -> memref<1x128xi32, #tpu.memory_space<vmem>>
        %dma_start3A_102 = tpu.memref_squeeze %dma_start3A_101 : memref<1x128xi32, #tpu.memory_space<vmem>> -> memref<128xi32, #tpu.memory_space<vmem>>
        %dma_start3A_103 = arith.constant 0 : i32
        %dma_start3A_104 = arith.constant 0 : i32
        %dma_start3A_105 = tpu.memref_slice %arg3[%dma_start3A_103, %dma_start3A_104] : memref<100000x128xf32, #tpu.memory_space<hbm>> -> memref<100000x128xf32, #tpu.memory_space<hbm>>
        tpu.enqueue_indirect_dma source(%dma_start3A_105 : memref<100000x128xf32, #tpu.memory_space<hbm>>) target(%dma_start3A_99 : memref<128x128xf32, #tpu.memory_space<vmem>>) offsets(%dma_start3A_102 : memref<128xi32, #tpu.memory_space<vmem>>) semaphore(%arg10 : memref<!tpu.dma_semaphore, #tpu.memory_space<semaphore_mem>>)
        %dma_start3A_106 = arith.constant 128 : i32
        %dma_start3A_107 = arith.constant 0 : i32
        %dma_start3A_108 = tpu.memref_slice %arg6[%dma_start3A_106, %dma_start3A_107] : memref<200x128xf32, #tpu.memory_space<vmem>> -> memref<72x128xf32, #tpu.memory_space<vmem>>
        %dma_start3A_109 = arith.constant 128 : i32
        %dma_start3A_110 = tpu.memref_slice %arg5[%sub3A_69, %dma_start3A_109] : memref<128x200xi32, #tpu.memory_space<vmem>> -> memref<1x72xi32, #tpu.memory_space<vmem>>
        %dma_start3A_111 = tpu.memref_squeeze %dma_start3A_110 : memref<1x72xi32, #tpu.memory_space<vmem>> -> memref<72xi32, #tpu.memory_space<vmem>>
        %dma_start3A_112 = arith.constant 0 : i32
        %dma_start3A_113 = arith.constant 0 : i32
        %dma_start3A_114 = tpu.memref_slice %arg3[%dma_start3A_112, %dma_start3A_113] : memref<100000x128xf32, #tpu.memory_space<hbm>> -> memref<100000x128xf32, #tpu.memory_space<hbm>>
        tpu.enqueue_indirect_dma source(%dma_start3A_114 : memref<100000x128xf32, #tpu.memory_space<hbm>>) target(%dma_start3A_108 : memref<72x128xf32, #tpu.memory_space<vmem>>) offsets(%dma_start3A_111 : memref<72xi32, #tpu.memory_space<vmem>>) semaphore(%arg10 : memref<!tpu.dma_semaphore, #tpu.memory_space<semaphore_mem>>)
      } else {
      }
      %lt3A_75 = arith.constant 128 : i32
      %lt3A_76 = arith.cmpi slt, %add3A_65, %lt3A_75 : i32
      %convert_element_type3A_77 = arith.extui %lt3A_76 : i1 to i32
      %cond3A_78 = arith.constant 0 : i32
      %cond3A_79 = arith.cmpi ne, %convert_element_type3A_77, %cond3A_78 : i32
      scf.if %cond3A_79 {
        %dma_wait3A = arith.constant 0 : i32
        %dma_wait3A_97 = arith.constant 0 : i32
        %dma_wait3A_98 = tpu.memref_slice %arg3[%dma_wait3A, %dma_wait3A_97] : memref<100000x128xf32, #tpu.memory_space<hbm>> -> memref<200x128xf32, #tpu.memory_space<hbm>>
        %dma_wait3A_99 = arith.constant 0 : i32
        %dma_wait3A_100 = arith.constant 0 : i32
        %dma_wait3A_101 = tpu.memref_slice %arg3[%dma_wait3A_99, %dma_wait3A_100] : memref<100000x128xf32, #tpu.memory_space<hbm>> -> memref<200x128xf32, #tpu.memory_space<hbm>>
        tpu.wait_dma2 semaphore(%arg11 : memref<!tpu.dma_semaphore, #tpu.memory_space<semaphore_mem>>) src(%dma_wait3A_101 : memref<200x128xf32, #tpu.memory_space<hbm>>) dst(%arg7 : memref<200x128xf32, #tpu.memory_space<vmem>>)
        %broadcast_in_dim3A = arith.constant 0.000000e+00 : f32
        %broadcast_in_dim3A_102 = vector.broadcast %broadcast_in_dim3A : f32 to vector<16xf32>
        %scan3A_103 = arith.constant 0 : i32
        %scan3A_104 = arith.constant 25 : i32
        %scan3A_105 = arith.addi %scan3A_103, %scan3A_104 : i32
        %scan3A_106 = arith.constant 1 : i32
        %scan3A_107:8 = scf.for %scan3A_132 = %scan3A_103 to %scan3A_105 step %scan3A_106 iter_args(%scan3A_133 = %broadcast_in_dim3A_102, %scan3A_134 = %broadcast_in_dim3A_102, %scan3A_135 = %broadcast_in_dim3A_102, %scan3A_136 = %broadcast_in_dim3A_102, %scan3A_137 = %broadcast_in_dim3A_102, %scan3A_138 = %broadcast_in_dim3A_102, %scan3A_139 = %broadcast_in_dim3A_102, %scan3A_140 = %broadcast_in_dim3A_102) -> (vector<16xf32>, vector<16xf32>, vector<16xf32>, vector<16xf32>, vector<16xf32>, vector<16xf32>, vector<16xf32>, vector<16xf32>)  : i32 {
          %mul3A_141 = arith.constant 8 : i32
          %mul3A_142 = arith.muli %scan3A_132, %mul3A_141 : i32
          %add3A_143 = arith.constant 0 : i32
          %add3A_144 = arith.addi %mul3A_142, %add3A_143 : i32
          %get3A = arith.index_cast %add3A_144 : i32 to index
          %get3A_145 = arith.constant 0 : index
          %get3A_146 = tpu.vector_load %arg7[%get3A, %get3A_145] {strides = array<i32>} : memref<200x128xf32, #tpu.memory_space<vmem>>, vector<16xf32>,
          %add3A_147 = arith.addf %scan3A_133, %get3A_146 : vector<16xf32>
          %add3A_148 = arith.constant 0 : i32
          %add3A_149 = arith.addi %mul3A_142, %add3A_148 : i32
          %get3A_150 = arith.index_cast %add3A_149 : i32 to index
          %get3A_151 = arith.constant 16 : index
          %get3A_152 = tpu.vector_load %arg7[%get3A_150, %get3A_151] {strides = array<i32>} : memref<200x128xf32, #tpu.memory_space<vmem>>, vector<16xf32>,
          %add3A_153 = arith.addf %scan3A_134, %get3A_152 : vector<16xf32>
          %add3A_154 = arith.constant 0 : i32
          %add3A_155 = arith.addi %mul3A_142, %add3A_154 : i32
          %get3A_156 = arith.index_cast %add3A_155 : i32 to index
          %get3A_157 = arith.constant 32 : index
          %get3A_158 = tpu.vector_load %arg7[%get3A_156, %get3A_157] {strides = array<i32>} : memref<200x128xf32, #tpu.memory_space<vmem>>, vector<16xf32>,
          %add3A_159 = arith.addf %scan3A_135, %get3A_158 : vector<16xf32>
          %add3A_160 = arith.constant 0 : i32
          %add3A_161 = arith.addi %mul3A_142, %add3A_160 : i32
          %get3A_162 = arith.index_cast %add3A_161 : i32 to index
          %get3A_163 = arith.constant 48 : index
          %get3A_164 = tpu.vector_load %arg7[%get3A_162, %get3A_163] {strides = array<i32>} : memref<200x128xf32, #tpu.memory_space<vmem>>, vector<16xf32>,
          %add3A_165 = arith.addf %scan3A_136, %get3A_164 : vector<16xf32>
          %add3A_166 = arith.constant 0 : i32
          %add3A_167 = arith.addi %mul3A_142, %add3A_166 : i32
          %get3A_168 = arith.index_cast %add3A_167 : i32 to index
          %get3A_169 = arith.constant 64 : index
          %get3A_170 = tpu.vector_load %arg7[%get3A_168, %get3A_169] {strides = array<i32>} : memref<200x128xf32, #tpu.memory_space<vmem>>, vector<16xf32>,
          %add3A_171 = arith.addf %scan3A_137, %get3A_170 : vector<16xf32>
          %add3A_172 = arith.constant 0 : i32
          %add3A_173 = arith.addi %mul3A_142, %add3A_172 : i32
          %get3A_174 = arith.index_cast %add3A_173 : i32 to index
          %get3A_175 = arith.constant 80 : index
          %get3A_176 = tpu.vector_load %arg7[%get3A_174, %get3A_175] {strides = array<i32>} : memref<200x128xf32, #tpu.memory_space<vmem>>, vector<16xf32>,
          %add3A_177 = arith.addf %scan3A_138, %get3A_176 : vector<16xf32>
          %add3A_178 = arith.constant 0 : i32
          %add3A_179 = arith.addi %mul3A_142, %add3A_178 : i32
          %get3A_180 = arith.index_cast %add3A_179 : i32 to index
          %get3A_181 = arith.constant 96 : index
          %get3A_182 = tpu.vector_load %arg7[%get3A_180, %get3A_181] {strides = array<i32>} : memref<200x128xf32, #tpu.memory_space<vmem>>, vector<16xf32>,
          %add3A_183 = arith.addf %scan3A_139, %get3A_182 : vector<16xf32>
          %add3A_184 = arith.constant 0 : i32
          %add3A_185 = arith.addi %mul3A_142, %add3A_184 : i32
          %get3A_186 = arith.index_cast %add3A_185 : i32 to index
          %get3A_187 = arith.constant 112 : index
          %get3A_188 = tpu.vector_load %arg7[%get3A_186, %get3A_187] {strides = array<i32>} : memref<200x128xf32, #tpu.memory_space<vmem>>, vector<16xf32>,
          %add3A_189 = arith.addf %scan3A_140, %get3A_188 : vector<16xf32>
          %add3A_190 = arith.constant 1 : i32
          %add3A_191 = arith.addi %mul3A_142, %add3A_190 : i32
          %get3A_192 = arith.index_cast %add3A_191 : i32 to index
          %get3A_193 = arith.constant 0 : index
          %get3A_194 = tpu.vector_load %arg7[%get3A_192, %get3A_193] {strides = array<i32>} : memref<200x128xf32, #tpu.memory_space<vmem>>, vector<16xf32>,
          %add3A_195 = arith.addf %add3A_147, %get3A_194 : vector<16xf32>
          %add3A_196 = arith.constant 1 : i32
          %add3A_197 = arith.addi %mul3A_142, %add3A_196 : i32
          %get3A_198 = arith.index_cast %add3A_197 : i32 to index
          %get3A_199 = arith.constant 16 : index
          %get3A_200 = tpu.vector_load %arg7[%get3A_198, %get3A_199] {strides = array<i32>} : memref<200x128xf32, #tpu.memory_space<vmem>>, vector<16xf32>,
          %add3A_201 = arith.addf %add3A_153, %get3A_200 : vector<16xf32>
          %add3A_202 = arith.constant 1 : i32
          %add3A_203 = arith.addi %mul3A_142, %add3A_202 : i32
          %get3A_204 = arith.index_cast %add3A_203 : i32 to index
          %get3A_205 = arith.constant 32 : index
          %get3A_206 = tpu.vector_load %arg7[%get3A_204, %get3A_205] {strides = array<i32>} : memref<200x128xf32, #tpu.memory_space<vmem>>, vector<16xf32>,
          %add3A_207 = arith.addf %add3A_159, %get3A_206 : vector<16xf32>
          %add3A_208 = arith.constant 1 : i32
          %add3A_209 = arith.addi %mul3A_142, %add3A_208 : i32
          %get3A_210 = arith.index_cast %add3A_209 : i32 to index
          %get3A_211 = arith.constant 48 : index
          %get3A_212 = tpu.vector_load %arg7[%get3A_210, %get3A_211] {strides = array<i32>} : memref<200x128xf32, #tpu.memory_space<vmem>>, vector<16xf32>,
          %add3A_213 = arith.addf %add3A_165, %get3A_212 : vector<16xf32>
          %add3A_214 = arith.constant 1 : i32
          %add3A_215 = arith.addi %mul3A_142, %add3A_214 : i32
          %get3A_216 = arith.index_cast %add3A_215 : i32 to index
          %get3A_217 = arith.constant 64 : index
          %get3A_218 = tpu.vector_load %arg7[%get3A_216, %get3A_217] {strides = array<i32>} : memref<200x128xf32, #tpu.memory_space<vmem>>, vector<16xf32>,
          %add3A_219 = arith.addf %add3A_171, %get3A_218 : vector<16xf32>
          %add3A_220 = arith.constant 1 : i32
          %add3A_221 = arith.addi %mul3A_142, %add3A_220 : i32
          %get3A_222 = arith.index_cast %add3A_221 : i32 to index
          %get3A_223 = arith.constant 80 : index
          %get3A_224 = tpu.vector_load %arg7[%get3A_222, %get3A_223] {strides = array<i32>} : memref<200x128xf32, #tpu.memory_space<vmem>>, vector<16xf32>,
          %add3A_225 = arith.addf %add3A_177, %get3A_224 : vector<16xf32>
          %add3A_226 = arith.constant 1 : i32
          %add3A_227 = arith.addi %mul3A_142, %add3A_226 : i32
          %get3A_228 = arith.index_cast %add3A_227 : i32 to index
          %get3A_229 = arith.constant 96 : index
          %get3A_230 = tpu.vector_load %arg7[%get3A_228, %get3A_229] {strides = array<i32>} : memref<200x128xf32, #tpu.memory_space<vmem>>, vector<16xf32>,
          %add3A_231 = arith.addf %add3A_183, %get3A_230 : vector<16xf32>
          %add3A_232 = arith.constant 1 : i32
          %add3A_233 = arith.addi %mul3A_142, %add3A_232 : i32
          %get3A_234 = arith.index_cast %add3A_233 : i32 to index
          %get3A_235 = arith.constant 112 : index
          %get3A_236 = tpu.vector_load %arg7[%get3A_234, %get3A_235] {strides = array<i32>} : memref<200x128xf32, #tpu.memory_space<vmem>>, vector<16xf32>,
          %add3A_237 = arith.addf %add3A_189, %get3A_236 : vector<16xf32>
          %add3A_238 = arith.constant 2 : i32
          %add3A_239 = arith.addi %mul3A_142, %add3A_238 : i32
          %get3A_240 = arith.index_cast %add3A_239 : i32 to index
          %get3A_241 = arith.constant 0 : index
          %get3A_242 = tpu.vector_load %arg7[%get3A_240, %get3A_241] {strides = array<i32>} : memref<200x128xf32, #tpu.memory_space<vmem>>, vector<16xf32>,
          %add3A_243 = arith.addf %add3A_195, %get3A_242 : vector<16xf32>
          %add3A_244 = arith.constant 2 : i32
          %add3A_245 = arith.addi %mul3A_142, %add3A_244 : i32
          %get3A_246 = arith.index_cast %add3A_245 : i32 to index
          %get3A_247 = arith.constant 16 : index
          %get3A_248 = tpu.vector_load %arg7[%get3A_246, %get3A_247] {strides = array<i32>} : memref<200x128xf32, #tpu.memory_space<vmem>>, vector<16xf32>,
          %add3A_249 = arith.addf %add3A_201, %get3A_248 : vector<16xf32>
          %add3A_250 = arith.constant 2 : i32
          %add3A_251 = arith.addi %mul3A_142, %add3A_250 : i32
          %get3A_252 = arith.index_cast %add3A_251 : i32 to index
          %get3A_253 = arith.constant 32 : index
          %get3A_254 = tpu.vector_load %arg7[%get3A_252, %get3A_253] {strides = array<i32>} : memref<200x128xf32, #tpu.memory_space<vmem>>, vector<16xf32>,
          %add3A_255 = arith.addf %add3A_207, %get3A_254 : vector<16xf32>
          %add3A_256 = arith.constant 2 : i32
          %add3A_257 = arith.addi %mul3A_142, %add3A_256 : i32
          %get3A_258 = arith.index_cast %add3A_257 : i32 to index
          %get3A_259 = arith.constant 48 : index
          %get3A_260 = tpu.vector_load %arg7[%get3A_258, %get3A_259] {strides = array<i32>} : memref<200x128xf32, #tpu.memory_space<vmem>>, vector<16xf32>,
          %add3A_261 = arith.addf %add3A_213, %get3A_260 : vector<16xf32>
          %add3A_262 = arith.constant 2 : i32
          %add3A_263 = arith.addi %mul3A_142, %add3A_262 : i32
          %get3A_264 = arith.index_cast %add3A_263 : i32 to index
          %get3A_265 = arith.constant 64 : index
          %get3A_266 = tpu.vector_load %arg7[%get3A_264, %get3A_265] {strides = array<i32>} : memref<200x128xf32, #tpu.memory_space<vmem>>, vector<16xf32>,
          %add3A_267 = arith.addf %add3A_219, %get3A_266 : vector<16xf32>
          %add3A_268 = arith.constant 2 : i32
          %add3A_269 = arith.addi %mul3A_142, %add3A_268 : i32
          %get3A_270 = arith.index_cast %add3A_269 : i32 to index
          %get3A_271 = arith.constant 80 : index
          %get3A_272 = tpu.vector_load %arg7[%get3A_270, %get3A_271] {strides = array<i32>} : memref<200x128xf32, #tpu.memory_space<vmem>>, vector<16xf32>,
          %add3A_273 = arith.addf %add3A_225, %get3A_272 : vector<16xf32>
          %add3A_274 = arith.constant 2 : i32
          %add3A_275 = arith.addi %mul3A_142, %add3A_274 : i32
          %get3A_276 = arith.index_cast %add3A_275 : i32 to index
          %get3A_277 = arith.constant 96 : index
          %get3A_278 = tpu.vector_load %arg7[%get3A_276, %get3A_277] {strides = array<i32>} : memref<200x128xf32, #tpu.memory_space<vmem>>, vector<16xf32>,
          %add3A_279 = arith.addf %add3A_231, %get3A_278 : vector<16xf32>
          %add3A_280 = arith.constant 2 : i32
          %add3A_281 = arith.addi %mul3A_142, %add3A_280 : i32
          %get3A_282 = arith.index_cast %add3A_281 : i32 to index
          %get3A_283 = arith.constant 112 : index
          %get3A_284 = tpu.vector_load %arg7[%get3A_282, %get3A_283] {strides = array<i32>} : memref<200x128xf32, #tpu.memory_space<vmem>>, vector<16xf32>,
          %add3A_285 = arith.addf %add3A_237, %get3A_284 : vector<16xf32>
          %add3A_286 = arith.constant 3 : i32
          %add3A_287 = arith.addi %mul3A_142, %add3A_286 : i32
          %get3A_288 = arith.index_cast %add3A_287 : i32 to index
          %get3A_289 = arith.constant 0 : index
          %get3A_290 = tpu.vector_load %arg7[%get3A_288, %get3A_289] {strides = array<i32>} : memref<200x128xf32, #tpu.memory_space<vmem>>, vector<16xf32>,
          %add3A_291 = arith.addf %add3A_243, %get3A_290 : vector<16xf32>
          %add3A_292 = arith.constant 3 : i32
          %add3A_293 = arith.addi %mul3A_142, %add3A_292 : i32
          %get3A_294 = arith.index_cast %add3A_293 : i32 to index
          %get3A_295 = arith.constant 16 : index
          %get3A_296 = tpu.vector_load %arg7[%get3A_294, %get3A_295] {strides = array<i32>} : memref<200x128xf32, #tpu.memory_space<vmem>>, vector<16xf32>,
          %add3A_297 = arith.addf %add3A_249, %get3A_296 : vector<16xf32>
          %add3A_298 = arith.constant 3 : i32
          %add3A_299 = arith.addi %mul3A_142, %add3A_298 : i32
          %get3A_300 = arith.index_cast %add3A_299 : i32 to index
          %get3A_301 = arith.constant 32 : index
          %get3A_302 = tpu.vector_load %arg7[%get3A_300, %get3A_301] {strides = array<i32>} : memref<200x128xf32, #tpu.memory_space<vmem>>, vector<16xf32>,
          %add3A_303 = arith.addf %add3A_255, %get3A_302 : vector<16xf32>
          %add3A_304 = arith.constant 3 : i32
          %add3A_305 = arith.addi %mul3A_142, %add3A_304 : i32
          %get3A_306 = arith.index_cast %add3A_305 : i32 to index
          %get3A_307 = arith.constant 48 : index
          %get3A_308 = tpu.vector_load %arg7[%get3A_306, %get3A_307] {strides = array<i32>} : memref<200x128xf32, #tpu.memory_space<vmem>>, vector<16xf32>,
          %add3A_309 = arith.addf %add3A_261, %get3A_308 : vector<16xf32>
          %add3A_310 = arith.constant 3 : i32
          %add3A_311 = arith.addi %mul3A_142, %add3A_310 : i32
          %get3A_312 = arith.index_cast %add3A_311 : i32 to index
          %get3A_313 = arith.constant 64 : index
          %get3A_314 = tpu.vector_load %arg7[%get3A_312, %get3A_313] {strides = array<i32>} : memref<200x128xf32, #tpu.memory_space<vmem>>, vector<16xf32>,
          %add3A_315 = arith.addf %add3A_267, %get3A_314 : vector<16xf32>
          %add3A_316 = arith.constant 3 : i32
          %add3A_317 = arith.addi %mul3A_142, %add3A_316 : i32
          %get3A_318 = arith.index_cast %add3A_317 : i32 to index
          %get3A_319 = arith.constant 80 : index
          %get3A_320 = tpu.vector_load %arg7[%get3A_318, %get3A_319] {strides = array<i32>} : memref<200x128xf32, #tpu.memory_space<vmem>>, vector<16xf32>,
          %add3A_321 = arith.addf %add3A_273, %get3A_320 : vector<16xf32>
          %add3A_322 = arith.constant 3 : i32
          %add3A_323 = arith.addi %mul3A_142, %add3A_322 : i32
          %get3A_324 = arith.index_cast %add3A_323 : i32 to index
          %get3A_325 = arith.constant 96 : index
          %get3A_326 = tpu.vector_load %arg7[%get3A_324, %get3A_325] {strides = array<i32>} : memref<200x128xf32, #tpu.memory_space<vmem>>, vector<16xf32>,
          %add3A_327 = arith.addf %add3A_279, %get3A_326 : vector<16xf32>
          %add3A_328 = arith.constant 3 : i32
          %add3A_329 = arith.addi %mul3A_142, %add3A_328 : i32
          %get3A_330 = arith.index_cast %add3A_329 : i32 to index
          %get3A_331 = arith.constant 112 : index
          %get3A_332 = tpu.vector_load %arg7[%get3A_330, %get3A_331] {strides = array<i32>} : memref<200x128xf32, #tpu.memory_space<vmem>>, vector<16xf32>,
          %add3A_333 = arith.addf %add3A_285, %get3A_332 : vector<16xf32>
          %add3A_334 = arith.constant 4 : i32
          %add3A_335 = arith.addi %mul3A_142, %add3A_334 : i32
          %get3A_336 = arith.index_cast %add3A_335 : i32 to index
          %get3A_337 = arith.constant 0 : index
          %get3A_338 = tpu.vector_load %arg7[%get3A_336, %get3A_337] {strides = array<i32>} : memref<200x128xf32, #tpu.memory_space<vmem>>, vector<16xf32>,
          %add3A_339 = arith.addf %add3A_291, %get3A_338 : vector<16xf32>
          %add3A_340 = arith.constant 4 : i32
          %add3A_341 = arith.addi %mul3A_142, %add3A_340 : i32
          %get3A_342 = arith.index_cast %add3A_341 : i32 to index
          %get3A_343 = arith.constant 16 : index
          %get3A_344 = tpu.vector_load %arg7[%get3A_342, %get3A_343] {strides = array<i32>} : memref<200x128xf32, #tpu.memory_space<vmem>>, vector<16xf32>,
          %add3A_345 = arith.addf %add3A_297, %get3A_344 : vector<16xf32>
          %add3A_346 = arith.constant 4 : i32
          %add3A_347 = arith.addi %mul3A_142, %add3A_346 : i32
          %get3A_348 = arith.index_cast %add3A_347 : i32 to index
          %get3A_349 = arith.constant 32 : index
          %get3A_350 = tpu.vector_load %arg7[%get3A_348, %get3A_349] {strides = array<i32>} : memref<200x128xf32, #tpu.memory_space<vmem>>, vector<16xf32>,
          %add3A_351 = arith.addf %add3A_303, %get3A_350 : vector<16xf32>
          %add3A_352 = arith.constant 4 : i32
          %add3A_353 = arith.addi %mul3A_142, %add3A_352 : i32
          %get3A_354 = arith.index_cast %add3A_353 : i32 to index
          %get3A_355 = arith.constant 48 : index
          %get3A_356 = tpu.vector_load %arg7[%get3A_354, %get3A_355] {strides = array<i32>} : memref<200x128xf32, #tpu.memory_space<vmem>>, vector<16xf32>,
          %add3A_357 = arith.addf %add3A_309, %get3A_356 : vector<16xf32>
          %add3A_358 = arith.constant 4 : i32
          %add3A_359 = arith.addi %mul3A_142, %add3A_358 : i32
          %get3A_360 = arith.index_cast %add3A_359 : i32 to index
          %get3A_361 = arith.constant 64 : index
          %get3A_362 = tpu.vector_load %arg7[%get3A_360, %get3A_361] {strides = array<i32>} : memref<200x128xf32, #tpu.memory_space<vmem>>, vector<16xf32>,
          %add3A_363 = arith.addf %add3A_315, %get3A_362 : vector<16xf32>
          %add3A_364 = arith.constant 4 : i32
          %add3A_365 = arith.addi %mul3A_142, %add3A_364 : i32
          %get3A_366 = arith.index_cast %add3A_365 : i32 to index
          %get3A_367 = arith.constant 80 : index
          %get3A_368 = tpu.vector_load %arg7[%get3A_366, %get3A_367] {strides = array<i32>} : memref<200x128xf32, #tpu.memory_space<vmem>>, vector<16xf32>,
          %add3A_369 = arith.addf %add3A_321, %get3A_368 : vector<16xf32>
          %add3A_370 = arith.constant 4 : i32
          %add3A_371 = arith.addi %mul3A_142, %add3A_370 : i32
          %get3A_372 = arith.index_cast %add3A_371 : i32 to index
          %get3A_373 = arith.constant 96 : index
          %get3A_374 = tpu.vector_load %arg7[%get3A_372, %get3A_373] {strides = array<i32>} : memref<200x128xf32, #tpu.memory_space<vmem>>, vector<16xf32>,
          %add3A_375 = arith.addf %add3A_327, %get3A_374 : vector<16xf32>
          %add3A_376 = arith.constant 4 : i32
          %add3A_377 = arith.addi %mul3A_142, %add3A_376 : i32
          %get3A_378 = arith.index_cast %add3A_377 : i32 to index
          %get3A_379 = arith.constant 112 : index
          %get3A_380 = tpu.vector_load %arg7[%get3A_378, %get3A_379] {strides = array<i32>} : memref<200x128xf32, #tpu.memory_space<vmem>>, vector<16xf32>,
          %add3A_381 = arith.addf %add3A_333, %get3A_380 : vector<16xf32>
          %add3A_382 = arith.constant 5 : i32
          %add3A_383 = arith.addi %mul3A_142, %add3A_382 : i32
          %get3A_384 = arith.index_cast %add3A_383 : i32 to index
          %get3A_385 = arith.constant 0 : index
          %get3A_386 = tpu.vector_load %arg7[%get3A_384, %get3A_385] {strides = array<i32>} : memref<200x128xf32, #tpu.memory_space<vmem>>, vector<16xf32>,
          %add3A_387 = arith.addf %add3A_339, %get3A_386 : vector<16xf32>
          %add3A_388 = arith.constant 5 : i32
          %add3A_389 = arith.addi %mul3A_142, %add3A_388 : i32
          %get3A_390 = arith.index_cast %add3A_389 : i32 to index
          %get3A_391 = arith.constant 16 : index
          %get3A_392 = tpu.vector_load %arg7[%get3A_390, %get3A_391] {strides = array<i32>} : memref<200x128xf32, #tpu.memory_space<vmem>>, vector<16xf32>,
          %add3A_393 = arith.addf %add3A_345, %get3A_392 : vector<16xf32>
          %add3A_394 = arith.constant 5 : i32
          %add3A_395 = arith.addi %mul3A_142, %add3A_394 : i32
          %get3A_396 = arith.index_cast %add3A_395 : i32 to index
          %get3A_397 = arith.constant 32 : index
          %get3A_398 = tpu.vector_load %arg7[%get3A_396, %get3A_397] {strides = array<i32>} : memref<200x128xf32, #tpu.memory_space<vmem>>, vector<16xf32>,
          %add3A_399 = arith.addf %add3A_351, %get3A_398 : vector<16xf32>
          %add3A_400 = arith.constant 5 : i32
          %add3A_401 = arith.addi %mul3A_142, %add3A_400 : i32
          %get3A_402 = arith.index_cast %add3A_401 : i32 to index
          %get3A_403 = arith.constant 48 : index
          %get3A_404 = tpu.vector_load %arg7[%get3A_402, %get3A_403] {strides = array<i32>} : memref<200x128xf32, #tpu.memory_space<vmem>>, vector<16xf32>,
          %add3A_405 = arith.addf %add3A_357, %get3A_404 : vector<16xf32>
          %add3A_406 = arith.constant 5 : i32
          %add3A_407 = arith.addi %mul3A_142, %add3A_406 : i32
          %get3A_408 = arith.index_cast %add3A_407 : i32 to index
          %get3A_409 = arith.constant 64 : index
          %get3A_410 = tpu.vector_load %arg7[%get3A_408, %get3A_409] {strides = array<i32>} : memref<200x128xf32, #tpu.memory_space<vmem>>, vector<16xf32>,
          %add3A_411 = arith.addf %add3A_363, %get3A_410 : vector<16xf32>
          %add3A_412 = arith.constant 5 : i32
          %add3A_413 = arith.addi %mul3A_142, %add3A_412 : i32
          %get3A_414 = arith.index_cast %add3A_413 : i32 to index
          %get3A_415 = arith.constant 80 : index
          %get3A_416 = tpu.vector_load %arg7[%get3A_414, %get3A_415] {strides = array<i32>} : memref<200x128xf32, #tpu.memory_space<vmem>>, vector<16xf32>,
          %add3A_417 = arith.addf %add3A_369, %get3A_416 : vector<16xf32>
          %add3A_418 = arith.constant 5 : i32
          %add3A_419 = arith.addi %mul3A_142, %add3A_418 : i32
          %get3A_420 = arith.index_cast %add3A_419 : i32 to index
          %get3A_421 = arith.constant 96 : index
          %get3A_422 = tpu.vector_load %arg7[%get3A_420, %get3A_421] {strides = array<i32>} : memref<200x128xf32, #tpu.memory_space<vmem>>, vector<16xf32>,
          %add3A_423 = arith.addf %add3A_375, %get3A_422 : vector<16xf32>
          %add3A_424 = arith.constant 5 : i32
          %add3A_425 = arith.addi %mul3A_142, %add3A_424 : i32
          %get3A_426 = arith.index_cast %add3A_425 : i32 to index
          %get3A_427 = arith.constant 112 : index
          %get3A_428 = tpu.vector_load %arg7[%get3A_426, %get3A_427] {strides = array<i32>} : memref<200x128xf32, #tpu.memory_space<vmem>>, vector<16xf32>,
          %add3A_429 = arith.addf %add3A_381, %get3A_428 : vector<16xf32>
          %add3A_430 = arith.constant 6 : i32
          %add3A_431 = arith.addi %mul3A_142, %add3A_430 : i32
          %get3A_432 = arith.index_cast %add3A_431 : i32 to index
          %get3A_433 = arith.constant 0 : index
          %get3A_434 = tpu.vector_load %arg7[%get3A_432, %get3A_433] {strides = array<i32>} : memref<200x128xf32, #tpu.memory_space<vmem>>, vector<16xf32>,
          %add3A_435 = arith.addf %add3A_387, %get3A_434 : vector<16xf32>
          %add3A_436 = arith.constant 6 : i32
          %add3A_437 = arith.addi %mul3A_142, %add3A_436 : i32
          %get3A_438 = arith.index_cast %add3A_437 : i32 to index
          %get3A_439 = arith.constant 16 : index
          %get3A_440 = tpu.vector_load %arg7[%get3A_438, %get3A_439] {strides = array<i32>} : memref<200x128xf32, #tpu.memory_space<vmem>>, vector<16xf32>,
          %add3A_441 = arith.addf %add3A_393, %get3A_440 : vector<16xf32>
          %add3A_442 = arith.constant 6 : i32
          %add3A_443 = arith.addi %mul3A_142, %add3A_442 : i32
          %get3A_444 = arith.index_cast %add3A_443 : i32 to index
          %get3A_445 = arith.constant 32 : index
          %get3A_446 = tpu.vector_load %arg7[%get3A_444, %get3A_445] {strides = array<i32>} : memref<200x128xf32, #tpu.memory_space<vmem>>, vector<16xf32>,
          %add3A_447 = arith.addf %add3A_399, %get3A_446 : vector<16xf32>
          %add3A_448 = arith.constant 6 : i32
          %add3A_449 = arith.addi %mul3A_142, %add3A_448 : i32
          %get3A_450 = arith.index_cast %add3A_449 : i32 to index
          %get3A_451 = arith.constant 48 : index
          %get3A_452 = tpu.vector_load %arg7[%get3A_450, %get3A_451] {strides = array<i32>} : memref<200x128xf32, #tpu.memory_space<vmem>>, vector<16xf32>,
          %add3A_453 = arith.addf %add3A_405, %get3A_452 : vector<16xf32>
          %add3A_454 = arith.constant 6 : i32
          %add3A_455 = arith.addi %mul3A_142, %add3A_454 : i32
          %get3A_456 = arith.index_cast %add3A_455 : i32 to index
          %get3A_457 = arith.constant 64 : index
          %get3A_458 = tpu.vector_load %arg7[%get3A_456, %get3A_457] {strides = array<i32>} : memref<200x128xf32, #tpu.memory_space<vmem>>, vector<16xf32>,
          %add3A_459 = arith.addf %add3A_411, %get3A_458 : vector<16xf32>
          %add3A_460 = arith.constant 6 : i32
          %add3A_461 = arith.addi %mul3A_142, %add3A_460 : i32
          %get3A_462 = arith.index_cast %add3A_461 : i32 to index
          %get3A_463 = arith.constant 80 : index
          %get3A_464 = tpu.vector_load %arg7[%get3A_462, %get3A_463] {strides = array<i32>} : memref<200x128xf32, #tpu.memory_space<vmem>>, vector<16xf32>,
          %add3A_465 = arith.addf %add3A_417, %get3A_464 : vector<16xf32>
          %add3A_466 = arith.constant 6 : i32
          %add3A_467 = arith.addi %mul3A_142, %add3A_466 : i32
          %get3A_468 = arith.index_cast %add3A_467 : i32 to index
          %get3A_469 = arith.constant 96 : index
          %get3A_470 = tpu.vector_load %arg7[%get3A_468, %get3A_469] {strides = array<i32>} : memref<200x128xf32, #tpu.memory_space<vmem>>, vector<16xf32>,
          %add3A_471 = arith.addf %add3A_423, %get3A_470 : vector<16xf32>
          %add3A_472 = arith.constant 6 : i32
          %add3A_473 = arith.addi %mul3A_142, %add3A_472 : i32
          %get3A_474 = arith.index_cast %add3A_473 : i32 to index
          %get3A_475 = arith.constant 112 : index
          %get3A_476 = tpu.vector_load %arg7[%get3A_474, %get3A_475] {strides = array<i32>} : memref<200x128xf32, #tpu.memory_space<vmem>>, vector<16xf32>,
          %add3A_477 = arith.addf %add3A_429, %get3A_476 : vector<16xf32>
          %add3A_478 = arith.constant 7 : i32
          %add3A_479 = arith.addi %mul3A_142, %add3A_478 : i32
          %get3A_480 = arith.index_cast %add3A_479 : i32 to index
          %get3A_481 = arith.constant 0 : index
          %get3A_482 = tpu.vector_load %arg7[%get3A_480, %get3A_481] {strides = array<i32>} : memref<200x128xf32, #tpu.memory_space<vmem>>, vector<16xf32>,
          %add3A_483 = arith.addf %add3A_435, %get3A_482 : vector<16xf32>
          %add3A_484 = arith.constant 7 : i32
          %add3A_485 = arith.addi %mul3A_142, %add3A_484 : i32
          %get3A_486 = arith.index_cast %add3A_485 : i32 to index
          %get3A_487 = arith.constant 16 : index
          %get3A_488 = tpu.vector_load %arg7[%get3A_486, %get3A_487] {strides = array<i32>} : memref<200x128xf32, #tpu.memory_space<vmem>>, vector<16xf32>,
          %add3A_489 = arith.addf %add3A_441, %get3A_488 : vector<16xf32>
          %add3A_490 = arith.constant 7 : i32
          %add3A_491 = arith.addi %mul3A_142, %add3A_490 : i32
          %get3A_492 = arith.index_cast %add3A_491 : i32 to index
          %get3A_493 = arith.constant 32 : index
          %get3A_494 = tpu.vector_load %arg7[%get3A_492, %get3A_493] {strides = array<i32>} : memref<200x128xf32, #tpu.memory_space<vmem>>, vector<16xf32>,
          %add3A_495 = arith.addf %add3A_447, %get3A_494 : vector<16xf32>
          %add3A_496 = arith.constant 7 : i32
          %add3A_497 = arith.addi %mul3A_142, %add3A_496 : i32
          %get3A_498 = arith.index_cast %add3A_497 : i32 to index
          %get3A_499 = arith.constant 48 : index
          %get3A_500 = tpu.vector_load %arg7[%get3A_498, %get3A_499] {strides = array<i32>} : memref<200x128xf32, #tpu.memory_space<vmem>>, vector<16xf32>,
          %add3A_501 = arith.addf %add3A_453, %get3A_500 : vector<16xf32>
          %add3A_502 = arith.constant 7 : i32
          %add3A_503 = arith.addi %mul3A_142, %add3A_502 : i32
          %get3A_504 = arith.index_cast %add3A_503 : i32 to index
          %get3A_505 = arith.constant 64 : index
          %get3A_506 = tpu.vector_load %arg7[%get3A_504, %get3A_505] {strides = array<i32>} : memref<200x128xf32, #tpu.memory_space<vmem>>, vector<16xf32>,
          %add3A_507 = arith.addf %add3A_459, %get3A_506 : vector<16xf32>
          %add3A_508 = arith.constant 7 : i32
          %add3A_509 = arith.addi %mul3A_142, %add3A_508 : i32
          %get3A_510 = arith.index_cast %add3A_509 : i32 to index
          %get3A_511 = arith.constant 80 : index
          %get3A_512 = tpu.vector_load %arg7[%get3A_510, %get3A_511] {strides = array<i32>} : memref<200x128xf32, #tpu.memory_space<vmem>>, vector<16xf32>,
          %add3A_513 = arith.addf %add3A_465, %get3A_512 : vector<16xf32>
          %add3A_514 = arith.constant 7 : i32
          %add3A_515 = arith.addi %mul3A_142, %add3A_514 : i32
          %get3A_516 = arith.index_cast %add3A_515 : i32 to index
          %get3A_517 = arith.constant 96 : index
          %get3A_518 = tpu.vector_load %arg7[%get3A_516, %get3A_517] {strides = array<i32>} : memref<200x128xf32, #tpu.memory_space<vmem>>, vector<16xf32>,
          %add3A_519 = arith.addf %add3A_471, %get3A_518 : vector<16xf32>
          %add3A_520 = arith.constant 7 : i32
          %add3A_521 = arith.addi %mul3A_142, %add3A_520 : i32
          %get3A_522 = arith.index_cast %add3A_521 : i32 to index
          %get3A_523 = arith.constant 112 : index
          %get3A_524 = tpu.vector_load %arg7[%get3A_522, %get3A_523] {strides = array<i32>} : memref<200x128xf32, #tpu.memory_space<vmem>>, vector<16xf32>,
          %add3A_525 = arith.addf %add3A_477, %get3A_524 : vector<16xf32>
          scf.yield %add3A_483, %add3A_489, %add3A_495, %add3A_501, %add3A_507, %add3A_513, %add3A_519, %add3A_525 : vector<16xf32>, vector<16xf32>, vector<16xf32>, vector<16xf32>, vector<16xf32>, vector<16xf32>, vector<16xf32>, vector<16xf32>
        }
        %scan3A_108 = arith.constant 25 : i32
        %swap3A = arith.index_cast %add3A_65 : i32 to index
        %swap3A_109 = arith.constant 0 : index
        %swap3A_110 = tpu.vector_load %arg9[%swap3A, %swap3A_109] {strides = array<i32>} : memref<128x128xf32, #tpu.memory_space<vmem>>, vector<16xf32>,
        tpu.vector_store %arg9[%swap3A, %swap3A_109], %scan3A_107#0 {strides = array<i32>} : memref<128x128xf32, #tpu.memory_space<vmem>>, vector<16xf32>,
        %swap3A_111 = arith.index_cast %add3A_65 : i32 to index
        %swap3A_112 = arith.constant 16 : index
        %swap3A_113 = tpu.vector_load %arg9[%swap3A_111, %swap3A_112] {strides = array<i32>} : memref<128x128xf32, #tpu.memory_space<vmem>>, vector<16xf32>,
        tpu.vector_store %arg9[%swap3A_111, %swap3A_112], %scan3A_107#1 {strides = array<i32>} : memref<128x128xf32, #tpu.memory_space<vmem>>, vector<16xf32>,
        %swap3A_114 = arith.index_cast %add3A_65 : i32 to index
        %swap3A_115 = arith.constant 32 : index
        %swap3A_116 = tpu.vector_load %arg9[%swap3A_114, %swap3A_115] {strides = array<i32>} : memref<128x128xf32, #tpu.memory_space<vmem>>, vector<16xf32>,
        tpu.vector_store %arg9[%swap3A_114, %swap3A_115], %scan3A_107#2 {strides = array<i32>} : memref<128x128xf32, #tpu.memory_space<vmem>>, vector<16xf32>,
        %swap3A_117 = arith.index_cast %add3A_65 : i32 to index
        %swap3A_118 = arith.constant 48 : index
        %swap3A_119 = tpu.vector_load %arg9[%swap3A_117, %swap3A_118] {strides = array<i32>} : memref<128x128xf32, #tpu.memory_space<vmem>>, vector<16xf32>,
        tpu.vector_store %arg9[%swap3A_117, %swap3A_118], %scan3A_107#3 {strides = array<i32>} : memref<128x128xf32, #tpu.memory_space<vmem>>, vector<16xf32>,
        %swap3A_120 = arith.index_cast %add3A_65 : i32 to index
        %swap3A_121 = arith.constant 64 : index
        %swap3A_122 = tpu.vector_load %arg9[%swap3A_120, %swap3A_121] {strides = array<i32>} : memref<128x128xf32, #tpu.memory_space<vmem>>, vector<16xf32>,
        tpu.vector_store %arg9[%swap3A_120, %swap3A_121], %scan3A_107#4 {strides = array<i32>} : memref<128x128xf32, #tpu.memory_space<vmem>>, vector<16xf32>,
        %swap3A_123 = arith.index_cast %add3A_65 : i32 to index
        %swap3A_124 = arith.constant 80 : index
        %swap3A_125 = tpu.vector_load %arg9[%swap3A_123, %swap3A_124] {strides = array<i32>} : memref<128x128xf32, #tpu.memory_space<vmem>>, vector<16xf32>,
        tpu.vector_store %arg9[%swap3A_123, %swap3A_124], %scan3A_107#5 {strides = array<i32>} : memref<128x128xf32, #tpu.memory_space<vmem>>, vector<16xf32>,
        %swap3A_126 = arith.index_cast %add3A_65 : i32 to index
        %swap3A_127 = arith.constant 96 : index
        %swap3A_128 = tpu.vector_load %arg9[%swap3A_126, %swap3A_127] {strides = array<i32>} : memref<128x128xf32, #tpu.memory_space<vmem>>, vector<16xf32>,
        tpu.vector_store %arg9[%swap3A_126, %swap3A_127], %scan3A_107#6 {strides = array<i32>} : memref<128x128xf32, #tpu.memory_space<vmem>>, vector<16xf32>,
        %swap3A_129 = arith.index_cast %add3A_65 : i32 to index
        %swap3A_130 = arith.constant 112 : index
        %swap3A_131 = tpu.vector_load %arg9[%swap3A_129, %swap3A_130] {strides = array<i32>} : memref<128x128xf32, #tpu.memory_space<vmem>>, vector<16xf32>,
        tpu.vector_store %arg9[%swap3A_129, %swap3A_130], %scan3A_107#7 {strides = array<i32>} : memref<128x128xf32, #tpu.memory_space<vmem>>, vector<16xf32>,
      } else {
      }
      %add3A_80 = arith.constant 2 : i32
      %add3A_81 = arith.addi %mul3A_51, %add3A_80 : i32
      %add3A_82 = arith.constant 3 : i32
      %add3A_83 = arith.addi %add3A_81, %add3A_82 : i32
      %sub3A_84 = arith.constant 1 : i32
      %sub3A_85 = arith.subi %add3A_83, %sub3A_84 : i32
      %lt3A_86 = arith.constant 128 : i32
      %lt3A_87 = arith.cmpi slt, %sub3A_85, %lt3A_86 : i32
      %convert_element_type3A_88 = arith.extui %lt3A_87 : i1 to i32
      %cond3A_89 = arith.constant 0 : i32
      %cond3A_90 = arith.cmpi ne, %convert_element_type3A_88, %cond3A_89 : i32
      scf.if %cond3A_90 {
        %dma_start3A_97 = arith.constant 0 : i32
        %dma_start3A_98 = arith.constant 0 : i32
        %dma_start3A_99 = tpu.memref_slice %arg7[%dma_start3A_97, %dma_start3A_98] : memref<200x128xf32, #tpu.memory_space<vmem>> -> memref<128x128xf32, #tpu.memory_space<vmem>>
        %dma_start3A_100 = arith.constant 0 : i32
        %dma_start3A_101 = tpu.memref_slice %arg5[%sub3A_85, %dma_start3A_100] : memref<128x200xi32, #tpu.memory_space<vmem>> -> memref<1x128xi32, #tpu.memory_space<vmem>>
        %dma_start3A_102 = tpu.memref_squeeze %dma_start3A_101 : memref<1x128xi32, #tpu.memory_space<vmem>> -> memref<128xi32, #tpu.memory_space<vmem>>
        %dma_start3A_103 = arith.constant 0 : i32
        %dma_start3A_104 = arith.constant 0 : i32
        %dma_start3A_105 = tpu.memref_slice %arg3[%dma_start3A_103, %dma_start3A_104] : memref<100000x128xf32, #tpu.memory_space<hbm>> -> memref<100000x128xf32, #tpu.memory_space<hbm>>
        tpu.enqueue_indirect_dma source(%dma_start3A_105 : memref<100000x128xf32, #tpu.memory_space<hbm>>) target(%dma_start3A_99 : memref<128x128xf32, #tpu.memory_space<vmem>>) offsets(%dma_start3A_102 : memref<128xi32, #tpu.memory_space<vmem>>) semaphore(%arg11 : memref<!tpu.dma_semaphore, #tpu.memory_space<semaphore_mem>>)
        %dma_start3A_106 = arith.constant 128 : i32
        %dma_start3A_107 = arith.constant 0 : i32
        %dma_start3A_108 = tpu.memref_slice %arg7[%dma_start3A_106, %dma_start3A_107] : memref<200x128xf32, #tpu.memory_space<vmem>> -> memref<72x128xf32, #tpu.memory_space<vmem>>
        %dma_start3A_109 = arith.constant 128 : i32
        %dma_start3A_110 = tpu.memref_slice %arg5[%sub3A_85, %dma_start3A_109] : memref<128x200xi32, #tpu.memory_space<vmem>> -> memref<1x72xi32, #tpu.memory_space<vmem>>
        %dma_start3A_111 = tpu.memref_squeeze %dma_start3A_110 : memref<1x72xi32, #tpu.memory_space<vmem>> -> memref<72xi32, #tpu.memory_space<vmem>>
        %dma_start3A_112 = arith.constant 0 : i32
        %dma_start3A_113 = arith.constant 0 : i32
        %dma_start3A_114 = tpu.memref_slice %arg3[%dma_start3A_112, %dma_start3A_113] : memref<100000x128xf32, #tpu.memory_space<hbm>> -> memref<100000x128xf32, #tpu.memory_space<hbm>>
        tpu.enqueue_indirect_dma source(%dma_start3A_114 : memref<100000x128xf32, #tpu.memory_space<hbm>>) target(%dma_start3A_108 : memref<72x128xf32, #tpu.memory_space<vmem>>) offsets(%dma_start3A_111 : memref<72xi32, #tpu.memory_space<vmem>>) semaphore(%arg11 : memref<!tpu.dma_semaphore, #tpu.memory_space<semaphore_mem>>)
      } else {
      }
      %lt3A_91 = arith.constant 128 : i32
      %lt3A_92 = arith.cmpi slt, %add3A_81, %lt3A_91 : i32
      %convert_element_type3A_93 = arith.extui %lt3A_92 : i1 to i32
      %cond3A_94 = arith.constant 0 : i32
      %cond3A_95 = arith.cmpi ne, %convert_element_type3A_93, %cond3A_94 : i32
      scf.if %cond3A_95 {
        %dma_wait3A = arith.constant 0 : i32
        %dma_wait3A_97 = arith.constant 0 : i32
        %dma_wait3A_98 = tpu.memref_slice %arg3[%dma_wait3A, %dma_wait3A_97] : memref<100000x128xf32, #tpu.memory_space<hbm>> -> memref<200x128xf32, #tpu.memory_space<hbm>>
        %dma_wait3A_99 = arith.constant 0 : i32
        %dma_wait3A_100 = arith.constant 0 : i32
        %dma_wait3A_101 = tpu.memref_slice %arg3[%dma_wait3A_99, %dma_wait3A_100] : memref<100000x128xf32, #tpu.memory_space<hbm>> -> memref<200x128xf32, #tpu.memory_space<hbm>>
        tpu.wait_dma2 semaphore(%arg12 : memref<!tpu.dma_semaphore, #tpu.memory_space<semaphore_mem>>) src(%dma_wait3A_101 : memref<200x128xf32, #tpu.memory_space<hbm>>) dst(%arg8 : memref<200x128xf32, #tpu.memory_space<vmem>>)
        %broadcast_in_dim3A = arith.constant 0.000000e+00 : f32
        %broadcast_in_dim3A_102 = vector.broadcast %broadcast_in_dim3A : f32 to vector<16xf32>
        %scan3A_103 = arith.constant 0 : i32
        %scan3A_104 = arith.constant 25 : i32
        %scan3A_105 = arith.addi %scan3A_103, %scan3A_104 : i32
        %scan3A_106 = arith.constant 1 : i32
        %scan3A_107:8 = scf.for %scan3A_132 = %scan3A_103 to %scan3A_105 step %scan3A_106 iter_args(%scan3A_133 = %broadcast_in_dim3A_102, %scan3A_134 = %broadcast_in_dim3A_102, %scan3A_135 = %broadcast_in_dim3A_102, %scan3A_136 = %broadcast_in_dim3A_102, %scan3A_137 = %broadcast_in_dim3A_102, %scan3A_138 = %broadcast_in_dim3A_102, %scan3A_139 = %broadcast_in_dim3A_102, %scan3A_140 = %broadcast_in_dim3A_102) -> (vector<16xf32>, vector<16xf32>, vector<16xf32>, vector<16xf32>, vector<16xf32>, vector<16xf32>, vector<16xf32>, vector<16xf32>)  : i32 {
          %mul3A_141 = arith.constant 8 : i32
          %mul3A_142 = arith.muli %scan3A_132, %mul3A_141 : i32
          %add3A_143 = arith.constant 0 : i32
          %add3A_144 = arith.addi %mul3A_142, %add3A_143 : i32
          %get3A = arith.index_cast %add3A_144 : i32 to index
          %get3A_145 = arith.constant 0 : index
          %get3A_146 = tpu.vector_load %arg8[%get3A, %get3A_145] {strides = array<i32>} : memref<200x128xf32, #tpu.memory_space<vmem>>, vector<16xf32>,
          %add3A_147 = arith.addf %scan3A_133, %get3A_146 : vector<16xf32>
          %add3A_148 = arith.constant 0 : i32
          %add3A_149 = arith.addi %mul3A_142, %add3A_148 : i32
          %get3A_150 = arith.index_cast %add3A_149 : i32 to index
          %get3A_151 = arith.constant 16 : index
          %get3A_152 = tpu.vector_load %arg8[%get3A_150, %get3A_151] {strides = array<i32>} : memref<200x128xf32, #tpu.memory_space<vmem>>, vector<16xf32>,
          %add3A_153 = arith.addf %scan3A_134, %get3A_152 : vector<16xf32>
          %add3A_154 = arith.constant 0 : i32
          %add3A_155 = arith.addi %mul3A_142, %add3A_154 : i32
          %get3A_156 = arith.index_cast %add3A_155 : i32 to index
          %get3A_157 = arith.constant 32 : index
          %get3A_158 = tpu.vector_load %arg8[%get3A_156, %get3A_157] {strides = array<i32>} : memref<200x128xf32, #tpu.memory_space<vmem>>, vector<16xf32>,
          %add3A_159 = arith.addf %scan3A_135, %get3A_158 : vector<16xf32>
          %add3A_160 = arith.constant 0 : i32
          %add3A_161 = arith.addi %mul3A_142, %add3A_160 : i32
          %get3A_162 = arith.index_cast %add3A_161 : i32 to index
          %get3A_163 = arith.constant 48 : index
          %get3A_164 = tpu.vector_load %arg8[%get3A_162, %get3A_163] {strides = array<i32>} : memref<200x128xf32, #tpu.memory_space<vmem>>, vector<16xf32>,
          %add3A_165 = arith.addf %scan3A_136, %get3A_164 : vector<16xf32>
          %add3A_166 = arith.constant 0 : i32
          %add3A_167 = arith.addi %mul3A_142, %add3A_166 : i32
          %get3A_168 = arith.index_cast %add3A_167 : i32 to index
          %get3A_169 = arith.constant 64 : index
          %get3A_170 = tpu.vector_load %arg8[%get3A_168, %get3A_169] {strides = array<i32>} : memref<200x128xf32, #tpu.memory_space<vmem>>, vector<16xf32>,
          %add3A_171 = arith.addf %scan3A_137, %get3A_170 : vector<16xf32>
          %add3A_172 = arith.constant 0 : i32
          %add3A_173 = arith.addi %mul3A_142, %add3A_172 : i32
          %get3A_174 = arith.index_cast %add3A_173 : i32 to index
          %get3A_175 = arith.constant 80 : index
          %get3A_176 = tpu.vector_load %arg8[%get3A_174, %get3A_175] {strides = array<i32>} : memref<200x128xf32, #tpu.memory_space<vmem>>, vector<16xf32>,
          %add3A_177 = arith.addf %scan3A_138, %get3A_176 : vector<16xf32>
          %add3A_178 = arith.constant 0 : i32
          %add3A_179 = arith.addi %mul3A_142, %add3A_178 : i32
          %get3A_180 = arith.index_cast %add3A_179 : i32 to index
          %get3A_181 = arith.constant 96 : index
          %get3A_182 = tpu.vector_load %arg8[%get3A_180, %get3A_181] {strides = array<i32>} : memref<200x128xf32, #tpu.memory_space<vmem>>, vector<16xf32>,
          %add3A_183 = arith.addf %scan3A_139, %get3A_182 : vector<16xf32>
          %add3A_184 = arith.constant 0 : i32
          %add3A_185 = arith.addi %mul3A_142, %add3A_184 : i32
          %get3A_186 = arith.index_cast %add3A_185 : i32 to index
          %get3A_187 = arith.constant 112 : index
          %get3A_188 = tpu.vector_load %arg8[%get3A_186, %get3A_187] {strides = array<i32>} : memref<200x128xf32, #tpu.memory_space<vmem>>, vector<16xf32>,
          %add3A_189 = arith.addf %scan3A_140, %get3A_188 : vector<16xf32>
          %add3A_190 = arith.constant 1 : i32
          %add3A_191 = arith.addi %mul3A_142, %add3A_190 : i32
          %get3A_192 = arith.index_cast %add3A_191 : i32 to index
          %get3A_193 = arith.constant 0 : index
          %get3A_194 = tpu.vector_load %arg8[%get3A_192, %get3A_193] {strides = array<i32>} : memref<200x128xf32, #tpu.memory_space<vmem>>, vector<16xf32>,
          %add3A_195 = arith.addf %add3A_147, %get3A_194 : vector<16xf32>
          %add3A_196 = arith.constant 1 : i32
          %add3A_197 = arith.addi %mul3A_142, %add3A_196 : i32
          %get3A_198 = arith.index_cast %add3A_197 : i32 to index
          %get3A_199 = arith.constant 16 : index
          %get3A_200 = tpu.vector_load %arg8[%get3A_198, %get3A_199] {strides = array<i32>} : memref<200x128xf32, #tpu.memory_space<vmem>>, vector<16xf32>,
          %add3A_201 = arith.addf %add3A_153, %get3A_200 : vector<16xf32>
          %add3A_202 = arith.constant 1 : i32
          %add3A_203 = arith.addi %mul3A_142, %add3A_202 : i32
          %get3A_204 = arith.index_cast %add3A_203 : i32 to index
          %get3A_205 = arith.constant 32 : index
          %get3A_206 = tpu.vector_load %arg8[%get3A_204, %get3A_205] {strides = array<i32>} : memref<200x128xf32, #tpu.memory_space<vmem>>, vector<16xf32>,
          %add3A_207 = arith.addf %add3A_159, %get3A_206 : vector<16xf32>
          %add3A_208 = arith.constant 1 : i32
          %add3A_209 = arith.addi %mul3A_142, %add3A_208 : i32
          %get3A_210 = arith.index_cast %add3A_209 : i32 to index
          %get3A_211 = arith.constant 48 : index
          %get3A_212 = tpu.vector_load %arg8[%get3A_210, %get3A_211] {strides = array<i32>} : memref<200x128xf32, #tpu.memory_space<vmem>>, vector<16xf32>,
          %add3A_213 = arith.addf %add3A_165, %get3A_212 : vector<16xf32>
          %add3A_214 = arith.constant 1 : i32
          %add3A_215 = arith.addi %mul3A_142, %add3A_214 : i32
          %get3A_216 = arith.index_cast %add3A_215 : i32 to index
          %get3A_217 = arith.constant 64 : index
          %get3A_218 = tpu.vector_load %arg8[%get3A_216, %get3A_217] {strides = array<i32>} : memref<200x128xf32, #tpu.memory_space<vmem>>, vector<16xf32>,
          %add3A_219 = arith.addf %add3A_171, %get3A_218 : vector<16xf32>
          %add3A_220 = arith.constant 1 : i32
          %add3A_221 = arith.addi %mul3A_142, %add3A_220 : i32
          %get3A_222 = arith.index_cast %add3A_221 : i32 to index
          %get3A_223 = arith.constant 80 : index
          %get3A_224 = tpu.vector_load %arg8[%get3A_222, %get3A_223] {strides = array<i32>} : memref<200x128xf32, #tpu.memory_space<vmem>>, vector<16xf32>,
          %add3A_225 = arith.addf %add3A_177, %get3A_224 : vector<16xf32>
          %add3A_226 = arith.constant 1 : i32
          %add3A_227 = arith.addi %mul3A_142, %add3A_226 : i32
          %get3A_228 = arith.index_cast %add3A_227 : i32 to index
          %get3A_229 = arith.constant 96 : index
          %get3A_230 = tpu.vector_load %arg8[%get3A_228, %get3A_229] {strides = array<i32>} : memref<200x128xf32, #tpu.memory_space<vmem>>, vector<16xf32>,
          %add3A_231 = arith.addf %add3A_183, %get3A_230 : vector<16xf32>
          %add3A_232 = arith.constant 1 : i32
          %add3A_233 = arith.addi %mul3A_142, %add3A_232 : i32
          %get3A_234 = arith.index_cast %add3A_233 : i32 to index
          %get3A_235 = arith.constant 112 : index
          %get3A_236 = tpu.vector_load %arg8[%get3A_234, %get3A_235] {strides = array<i32>} : memref<200x128xf32, #tpu.memory_space<vmem>>, vector<16xf32>,
          %add3A_237 = arith.addf %add3A_189, %get3A_236 : vector<16xf32>
          %add3A_238 = arith.constant 2 : i32
          %add3A_239 = arith.addi %mul3A_142, %add3A_238 : i32
          %get3A_240 = arith.index_cast %add3A_239 : i32 to index
          %get3A_241 = arith.constant 0 : index
          %get3A_242 = tpu.vector_load %arg8[%get3A_240, %get3A_241] {strides = array<i32>} : memref<200x128xf32, #tpu.memory_space<vmem>>, vector<16xf32>,
          %add3A_243 = arith.addf %add3A_195, %get3A_242 : vector<16xf32>
          %add3A_244 = arith.constant 2 : i32
          %add3A_245 = arith.addi %mul3A_142, %add3A_244 : i32
          %get3A_246 = arith.index_cast %add3A_245 : i32 to index
          %get3A_247 = arith.constant 16 : index
          %get3A_248 = tpu.vector_load %arg8[%get3A_246, %get3A_247] {strides = array<i32>} : memref<200x128xf32, #tpu.memory_space<vmem>>, vector<16xf32>,
          %add3A_249 = arith.addf %add3A_201, %get3A_248 : vector<16xf32>
          %add3A_250 = arith.constant 2 : i32
          %add3A_251 = arith.addi %mul3A_142, %add3A_250 : i32
          %get3A_252 = arith.index_cast %add3A_251 : i32 to index
          %get3A_253 = arith.constant 32 : index
          %get3A_254 = tpu.vector_load %arg8[%get3A_252, %get3A_253] {strides = array<i32>} : memref<200x128xf32, #tpu.memory_space<vmem>>, vector<16xf32>,
          %add3A_255 = arith.addf %add3A_207, %get3A_254 : vector<16xf32>
          %add3A_256 = arith.constant 2 : i32
          %add3A_257 = arith.addi %mul3A_142, %add3A_256 : i32
          %get3A_258 = arith.index_cast %add3A_257 : i32 to index
          %get3A_259 = arith.constant 48 : index
          %get3A_260 = tpu.vector_load %arg8[%get3A_258, %get3A_259] {strides = array<i32>} : memref<200x128xf32, #tpu.memory_space<vmem>>, vector<16xf32>,
          %add3A_261 = arith.addf %add3A_213, %get3A_260 : vector<16xf32>
          %add3A_262 = arith.constant 2 : i32
          %add3A_263 = arith.addi %mul3A_142, %add3A_262 : i32
          %get3A_264 = arith.index_cast %add3A_263 : i32 to index
          %get3A_265 = arith.constant 64 : index
          %get3A_266 = tpu.vector_load %arg8[%get3A_264, %get3A_265] {strides = array<i32>} : memref<200x128xf32, #tpu.memory_space<vmem>>, vector<16xf32>,
          %add3A_267 = arith.addf %add3A_219, %get3A_266 : vector<16xf32>
          %add3A_268 = arith.constant 2 : i32
          %add3A_269 = arith.addi %mul3A_142, %add3A_268 : i32
          %get3A_270 = arith.index_cast %add3A_269 : i32 to index
          %get3A_271 = arith.constant 80 : index
          %get3A_272 = tpu.vector_load %arg8[%get3A_270, %get3A_271] {strides = array<i32>} : memref<200x128xf32, #tpu.memory_space<vmem>>, vector<16xf32>,
          %add3A_273 = arith.addf %add3A_225, %get3A_272 : vector<16xf32>
          %add3A_274 = arith.constant 2 : i32
          %add3A_275 = arith.addi %mul3A_142, %add3A_274 : i32
          %get3A_276 = arith.index_cast %add3A_275 : i32 to index
          %get3A_277 = arith.constant 96 : index
          %get3A_278 = tpu.vector_load %arg8[%get3A_276, %get3A_277] {strides = array<i32>} : memref<200x128xf32, #tpu.memory_space<vmem>>, vector<16xf32>,
          %add3A_279 = arith.addf %add3A_231, %get3A_278 : vector<16xf32>
          %add3A_280 = arith.constant 2 : i32
          %add3A_281 = arith.addi %mul3A_142, %add3A_280 : i32
          %get3A_282 = arith.index_cast %add3A_281 : i32 to index
          %get3A_283 = arith.constant 112 : index
          %get3A_284 = tpu.vector_load %arg8[%get3A_282, %get3A_283] {strides = array<i32>} : memref<200x128xf32, #tpu.memory_space<vmem>>, vector<16xf32>,
          %add3A_285 = arith.addf %add3A_237, %get3A_284 : vector<16xf32>
          %add3A_286 = arith.constant 3 : i32
          %add3A_287 = arith.addi %mul3A_142, %add3A_286 : i32
          %get3A_288 = arith.index_cast %add3A_287 : i32 to index
          %get3A_289 = arith.constant 0 : index
          %get3A_290 = tpu.vector_load %arg8[%get3A_288, %get3A_289] {strides = array<i32>} : memref<200x128xf32, #tpu.memory_space<vmem>>, vector<16xf32>,
          %add3A_291 = arith.addf %add3A_243, %get3A_290 : vector<16xf32>
          %add3A_292 = arith.constant 3 : i32
          %add3A_293 = arith.addi %mul3A_142, %add3A_292 : i32
          %get3A_294 = arith.index_cast %add3A_293 : i32 to index
          %get3A_295 = arith.constant 16 : index
          %get3A_296 = tpu.vector_load %arg8[%get3A_294, %get3A_295] {strides = array<i32>} : memref<200x128xf32, #tpu.memory_space<vmem>>, vector<16xf32>,
          %add3A_297 = arith.addf %add3A_249, %get3A_296 : vector<16xf32>
          %add3A_298 = arith.constant 3 : i32
          %add3A_299 = arith.addi %mul3A_142, %add3A_298 : i32
          %get3A_300 = arith.index_cast %add3A_299 : i32 to index
          %get3A_301 = arith.constant 32 : index
          %get3A_302 = tpu.vector_load %arg8[%get3A_300, %get3A_301] {strides = array<i32>} : memref<200x128xf32, #tpu.memory_space<vmem>>, vector<16xf32>,
          %add3A_303 = arith.addf %add3A_255, %get3A_302 : vector<16xf32>
          %add3A_304 = arith.constant 3 : i32
          %add3A_305 = arith.addi %mul3A_142, %add3A_304 : i32
          %get3A_306 = arith.index_cast %add3A_305 : i32 to index
          %get3A_307 = arith.constant 48 : index
          %get3A_308 = tpu.vector_load %arg8[%get3A_306, %get3A_307] {strides = array<i32>} : memref<200x128xf32, #tpu.memory_space<vmem>>, vector<16xf32>,
          %add3A_309 = arith.addf %add3A_261, %get3A_308 : vector<16xf32>
          %add3A_310 = arith.constant 3 : i32
          %add3A_311 = arith.addi %mul3A_142, %add3A_310 : i32
          %get3A_312 = arith.index_cast %add3A_311 : i32 to index
          %get3A_313 = arith.constant 64 : index
          %get3A_314 = tpu.vector_load %arg8[%get3A_312, %get3A_313] {strides = array<i32>} : memref<200x128xf32, #tpu.memory_space<vmem>>, vector<16xf32>,
          %add3A_315 = arith.addf %add3A_267, %get3A_314 : vector<16xf32>
          %add3A_316 = arith.constant 3 : i32
          %add3A_317 = arith.addi %mul3A_142, %add3A_316 : i32
          %get3A_318 = arith.index_cast %add3A_317 : i32 to index
          %get3A_319 = arith.constant 80 : index
          %get3A_320 = tpu.vector_load %arg8[%get3A_318, %get3A_319] {strides = array<i32>} : memref<200x128xf32, #tpu.memory_space<vmem>>, vector<16xf32>,
          %add3A_321 = arith.addf %add3A_273, %get3A_320 : vector<16xf32>
          %add3A_322 = arith.constant 3 : i32
          %add3A_323 = arith.addi %mul3A_142, %add3A_322 : i32
          %get3A_324 = arith.index_cast %add3A_323 : i32 to index
          %get3A_325 = arith.constant 96 : index
          %get3A_326 = tpu.vector_load %arg8[%get3A_324, %get3A_325] {strides = array<i32>} : memref<200x128xf32, #tpu.memory_space<vmem>>, vector<16xf32>,
          %add3A_327 = arith.addf %add3A_279, %get3A_326 : vector<16xf32>
          %add3A_328 = arith.constant 3 : i32
          %add3A_329 = arith.addi %mul3A_142, %add3A_328 : i32
          %get3A_330 = arith.index_cast %add3A_329 : i32 to index
          %get3A_331 = arith.constant 112 : index
          %get3A_332 = tpu.vector_load %arg8[%get3A_330, %get3A_331] {strides = array<i32>} : memref<200x128xf32, #tpu.memory_space<vmem>>, vector<16xf32>,
          %add3A_333 = arith.addf %add3A_285, %get3A_332 : vector<16xf32>
          %add3A_334 = arith.constant 4 : i32
          %add3A_335 = arith.addi %mul3A_142, %add3A_334 : i32
          %get3A_336 = arith.index_cast %add3A_335 : i32 to index
          %get3A_337 = arith.constant 0 : index
          %get3A_338 = tpu.vector_load %arg8[%get3A_336, %get3A_337] {strides = array<i32>} : memref<200x128xf32, #tpu.memory_space<vmem>>, vector<16xf32>,
          %add3A_339 = arith.addf %add3A_291, %get3A_338 : vector<16xf32>
          %add3A_340 = arith.constant 4 : i32
          %add3A_341 = arith.addi %mul3A_142, %add3A_340 : i32
          %get3A_342 = arith.index_cast %add3A_341 : i32 to index
          %get3A_343 = arith.constant 16 : index
          %get3A_344 = tpu.vector_load %arg8[%get3A_342, %get3A_343] {strides = array<i32>} : memref<200x128xf32, #tpu.memory_space<vmem>>, vector<16xf32>,
          %add3A_345 = arith.addf %add3A_297, %get3A_344 : vector<16xf32>
          %add3A_346 = arith.constant 4 : i32
          %add3A_347 = arith.addi %mul3A_142, %add3A_346 : i32
          %get3A_348 = arith.index_cast %add3A_347 : i32 to index
          %get3A_349 = arith.constant 32 : index
          %get3A_350 = tpu.vector_load %arg8[%get3A_348, %get3A_349] {strides = array<i32>} : memref<200x128xf32, #tpu.memory_space<vmem>>, vector<16xf32>,
          %add3A_351 = arith.addf %add3A_303, %get3A_350 : vector<16xf32>
          %add3A_352 = arith.constant 4 : i32
          %add3A_353 = arith.addi %mul3A_142, %add3A_352 : i32
          %get3A_354 = arith.index_cast %add3A_353 : i32 to index
          %get3A_355 = arith.constant 48 : index
          %get3A_356 = tpu.vector_load %arg8[%get3A_354, %get3A_355] {strides = array<i32>} : memref<200x128xf32, #tpu.memory_space<vmem>>, vector<16xf32>,
          %add3A_357 = arith.addf %add3A_309, %get3A_356 : vector<16xf32>
          %add3A_358 = arith.constant 4 : i32
          %add3A_359 = arith.addi %mul3A_142, %add3A_358 : i32
          %get3A_360 = arith.index_cast %add3A_359 : i32 to index
          %get3A_361 = arith.constant 64 : index
          %get3A_362 = tpu.vector_load %arg8[%get3A_360, %get3A_361] {strides = array<i32>} : memref<200x128xf32, #tpu.memory_space<vmem>>, vector<16xf32>,
          %add3A_363 = arith.addf %add3A_315, %get3A_362 : vector<16xf32>
          %add3A_364 = arith.constant 4 : i32
          %add3A_365 = arith.addi %mul3A_142, %add3A_364 : i32
          %get3A_366 = arith.index_cast %add3A_365 : i32 to index
          %get3A_367 = arith.constant 80 : index
          %get3A_368 = tpu.vector_load %arg8[%get3A_366, %get3A_367] {strides = array<i32>} : memref<200x128xf32, #tpu.memory_space<vmem>>, vector<16xf32>,
          %add3A_369 = arith.addf %add3A_321, %get3A_368 : vector<16xf32>
          %add3A_370 = arith.constant 4 : i32
          %add3A_371 = arith.addi %mul3A_142, %add3A_370 : i32
          %get3A_372 = arith.index_cast %add3A_371 : i32 to index
          %get3A_373 = arith.constant 96 : index
          %get3A_374 = tpu.vector_load %arg8[%get3A_372, %get3A_373] {strides = array<i32>} : memref<200x128xf32, #tpu.memory_space<vmem>>, vector<16xf32>,
          %add3A_375 = arith.addf %add3A_327, %get3A_374 : vector<16xf32>
          %add3A_376 = arith.constant 4 : i32
          %add3A_377 = arith.addi %mul3A_142, %add3A_376 : i32
          %get3A_378 = arith.index_cast %add3A_377 : i32 to index
          %get3A_379 = arith.constant 112 : index
          %get3A_380 = tpu.vector_load %arg8[%get3A_378, %get3A_379] {strides = array<i32>} : memref<200x128xf32, #tpu.memory_space<vmem>>, vector<16xf32>,
          %add3A_381 = arith.addf %add3A_333, %get3A_380 : vector<16xf32>
          %add3A_382 = arith.constant 5 : i32
          %add3A_383 = arith.addi %mul3A_142, %add3A_382 : i32
          %get3A_384 = arith.index_cast %add3A_383 : i32 to index
          %get3A_385 = arith.constant 0 : index
          %get3A_386 = tpu.vector_load %arg8[%get3A_384, %get3A_385] {strides = array<i32>} : memref<200x128xf32, #tpu.memory_space<vmem>>, vector<16xf32>,
          %add3A_387 = arith.addf %add3A_339, %get3A_386 : vector<16xf32>
          %add3A_388 = arith.constant 5 : i32
          %add3A_389 = arith.addi %mul3A_142, %add3A_388 : i32
          %get3A_390 = arith.index_cast %add3A_389 : i32 to index
          %get3A_391 = arith.constant 16 : index
          %get3A_392 = tpu.vector_load %arg8[%get3A_390, %get3A_391] {strides = array<i32>} : memref<200x128xf32, #tpu.memory_space<vmem>>, vector<16xf32>,
          %add3A_393 = arith.addf %add3A_345, %get3A_392 : vector<16xf32>
          %add3A_394 = arith.constant 5 : i32
          %add3A_395 = arith.addi %mul3A_142, %add3A_394 : i32
          %get3A_396 = arith.index_cast %add3A_395 : i32 to index
          %get3A_397 = arith.constant 32 : index
          %get3A_398 = tpu.vector_load %arg8[%get3A_396, %get3A_397] {strides = array<i32>} : memref<200x128xf32, #tpu.memory_space<vmem>>, vector<16xf32>,
          %add3A_399 = arith.addf %add3A_351, %get3A_398 : vector<16xf32>
          %add3A_400 = arith.constant 5 : i32
          %add3A_401 = arith.addi %mul3A_142, %add3A_400 : i32
          %get3A_402 = arith.index_cast %add3A_401 : i32 to index
          %get3A_403 = arith.constant 48 : index
          %get3A_404 = tpu.vector_load %arg8[%get3A_402, %get3A_403] {strides = array<i32>} : memref<200x128xf32, #tpu.memory_space<vmem>>, vector<16xf32>,
          %add3A_405 = arith.addf %add3A_357, %get3A_404 : vector<16xf32>
          %add3A_406 = arith.constant 5 : i32
          %add3A_407 = arith.addi %mul3A_142, %add3A_406 : i32
          %get3A_408 = arith.index_cast %add3A_407 : i32 to index
          %get3A_409 = arith.constant 64 : index
          %get3A_410 = tpu.vector_load %arg8[%get3A_408, %get3A_409] {strides = array<i32>} : memref<200x128xf32, #tpu.memory_space<vmem>>, vector<16xf32>,
          %add3A_411 = arith.addf %add3A_363, %get3A_410 : vector<16xf32>
          %add3A_412 = arith.constant 5 : i32
          %add3A_413 = arith.addi %mul3A_142, %add3A_412 : i32
          %get3A_414 = arith.index_cast %add3A_413 : i32 to index
          %get3A_415 = arith.constant 80 : index
          %get3A_416 = tpu.vector_load %arg8[%get3A_414, %get3A_415] {strides = array<i32>} : memref<200x128xf32, #tpu.memory_space<vmem>>, vector<16xf32>,
          %add3A_417 = arith.addf %add3A_369, %get3A_416 : vector<16xf32>
          %add3A_418 = arith.constant 5 : i32
          %add3A_419 = arith.addi %mul3A_142, %add3A_418 : i32
          %get3A_420 = arith.index_cast %add3A_419 : i32 to index
          %get3A_421 = arith.constant 96 : index
          %get3A_422 = tpu.vector_load %arg8[%get3A_420, %get3A_421] {strides = array<i32>} : memref<200x128xf32, #tpu.memory_space<vmem>>, vector<16xf32>,
          %add3A_423 = arith.addf %add3A_375, %get3A_422 : vector<16xf32>
          %add3A_424 = arith.constant 5 : i32
          %add3A_425 = arith.addi %mul3A_142, %add3A_424 : i32
          %get3A_426 = arith.index_cast %add3A_425 : i32 to index
          %get3A_427 = arith.constant 112 : index
          %get3A_428 = tpu.vector_load %arg8[%get3A_426, %get3A_427] {strides = array<i32>} : memref<200x128xf32, #tpu.memory_space<vmem>>, vector<16xf32>,
          %add3A_429 = arith.addf %add3A_381, %get3A_428 : vector<16xf32>
          %add3A_430 = arith.constant 6 : i32
          %add3A_431 = arith.addi %mul3A_142, %add3A_430 : i32
          %get3A_432 = arith.index_cast %add3A_431 : i32 to index
          %get3A_433 = arith.constant 0 : index
          %get3A_434 = tpu.vector_load %arg8[%get3A_432, %get3A_433] {strides = array<i32>} : memref<200x128xf32, #tpu.memory_space<vmem>>, vector<16xf32>,
          %add3A_435 = arith.addf %add3A_387, %get3A_434 : vector<16xf32>
          %add3A_436 = arith.constant 6 : i32
          %add3A_437 = arith.addi %mul3A_142, %add3A_436 : i32
          %get3A_438 = arith.index_cast %add3A_437 : i32 to index
          %get3A_439 = arith.constant 16 : index
          %get3A_440 = tpu.vector_load %arg8[%get3A_438, %get3A_439] {strides = array<i32>} : memref<200x128xf32, #tpu.memory_space<vmem>>, vector<16xf32>,
          %add3A_441 = arith.addf %add3A_393, %get3A_440 : vector<16xf32>
          %add3A_442 = arith.constant 6 : i32
          %add3A_443 = arith.addi %mul3A_142, %add3A_442 : i32
          %get3A_444 = arith.index_cast %add3A_443 : i32 to index
          %get3A_445 = arith.constant 32 : index
          %get3A_446 = tpu.vector_load %arg8[%get3A_444, %get3A_445] {strides = array<i32>} : memref<200x128xf32, #tpu.memory_space<vmem>>, vector<16xf32>,
          %add3A_447 = arith.addf %add3A_399, %get3A_446 : vector<16xf32>
          %add3A_448 = arith.constant 6 : i32
          %add3A_449 = arith.addi %mul3A_142, %add3A_448 : i32
          %get3A_450 = arith.index_cast %add3A_449 : i32 to index
          %get3A_451 = arith.constant 48 : index
          %get3A_452 = tpu.vector_load %arg8[%get3A_450, %get3A_451] {strides = array<i32>} : memref<200x128xf32, #tpu.memory_space<vmem>>, vector<16xf32>,
          %add3A_453 = arith.addf %add3A_405, %get3A_452 : vector<16xf32>
          %add3A_454 = arith.constant 6 : i32
          %add3A_455 = arith.addi %mul3A_142, %add3A_454 : i32
          %get3A_456 = arith.index_cast %add3A_455 : i32 to index
          %get3A_457 = arith.constant 64 : index
          %get3A_458 = tpu.vector_load %arg8[%get3A_456, %get3A_457] {strides = array<i32>} : memref<200x128xf32, #tpu.memory_space<vmem>>, vector<16xf32>,
          %add3A_459 = arith.addf %add3A_411, %get3A_458 : vector<16xf32>
          %add3A_460 = arith.constant 6 : i32
          %add3A_461 = arith.addi %mul3A_142, %add3A_460 : i32
          %get3A_462 = arith.index_cast %add3A_461 : i32 to index
          %get3A_463 = arith.constant 80 : index
          %get3A_464 = tpu.vector_load %arg8[%get3A_462, %get3A_463] {strides = array<i32>} : memref<200x128xf32, #tpu.memory_space<vmem>>, vector<16xf32>,
          %add3A_465 = arith.addf %add3A_417, %get3A_464 : vector<16xf32>
          %add3A_466 = arith.constant 6 : i32
          %add3A_467 = arith.addi %mul3A_142, %add3A_466 : i32
          %get3A_468 = arith.index_cast %add3A_467 : i32 to index
          %get3A_469 = arith.constant 96 : index
          %get3A_470 = tpu.vector_load %arg8[%get3A_468, %get3A_469] {strides = array<i32>} : memref<200x128xf32, #tpu.memory_space<vmem>>, vector<16xf32>,
          %add3A_471 = arith.addf %add3A_423, %get3A_470 : vector<16xf32>
          %add3A_472 = arith.constant 6 : i32
          %add3A_473 = arith.addi %mul3A_142, %add3A_472 : i32
          %get3A_474 = arith.index_cast %add3A_473 : i32 to index
          %get3A_475 = arith.constant 112 : index
          %get3A_476 = tpu.vector_load %arg8[%get3A_474, %get3A_475] {strides = array<i32>} : memref<200x128xf32, #tpu.memory_space<vmem>>, vector<16xf32>,
          %add3A_477 = arith.addf %add3A_429, %get3A_476 : vector<16xf32>
          %add3A_478 = arith.constant 7 : i32
          %add3A_479 = arith.addi %mul3A_142, %add3A_478 : i32
          %get3A_480 = arith.index_cast %add3A_479 : i32 to index
          %get3A_481 = arith.constant 0 : index
          %get3A_482 = tpu.vector_load %arg8[%get3A_480, %get3A_481] {strides = array<i32>} : memref<200x128xf32, #tpu.memory_space<vmem>>, vector<16xf32>,
          %add3A_483 = arith.addf %add3A_435, %get3A_482 : vector<16xf32>
          %add3A_484 = arith.constant 7 : i32
          %add3A_485 = arith.addi %mul3A_142, %add3A_484 : i32
          %get3A_486 = arith.index_cast %add3A_485 : i32 to index
          %get3A_487 = arith.constant 16 : index
          %get3A_488 = tpu.vector_load %arg8[%get3A_486, %get3A_487] {strides = array<i32>} : memref<200x128xf32, #tpu.memory_space<vmem>>, vector<16xf32>,
          %add3A_489 = arith.addf %add3A_441, %get3A_488 : vector<16xf32>
          %add3A_490 = arith.constant 7 : i32
          %add3A_491 = arith.addi %mul3A_142, %add3A_490 : i32
          %get3A_492 = arith.index_cast %add3A_491 : i32 to index
          %get3A_493 = arith.constant 32 : index
          %get3A_494 = tpu.vector_load %arg8[%get3A_492, %get3A_493] {strides = array<i32>} : memref<200x128xf32, #tpu.memory_space<vmem>>, vector<16xf32>,
          %add3A_495 = arith.addf %add3A_447, %get3A_494 : vector<16xf32>
          %add3A_496 = arith.constant 7 : i32
          %add3A_497 = arith.addi %mul3A_142, %add3A_496 : i32
          %get3A_498 = arith.index_cast %add3A_497 : i32 to index
          %get3A_499 = arith.constant 48 : index
          %get3A_500 = tpu.vector_load %arg8[%get3A_498, %get3A_499] {strides = array<i32>} : memref<200x128xf32, #tpu.memory_space<vmem>>, vector<16xf32>,
          %add3A_501 = arith.addf %add3A_453, %get3A_500 : vector<16xf32>
          %add3A_502 = arith.constant 7 : i32
          %add3A_503 = arith.addi %mul3A_142, %add3A_502 : i32
          %get3A_504 = arith.index_cast %add3A_503 : i32 to index
          %get3A_505 = arith.constant 64 : index
          %get3A_506 = tpu.vector_load %arg8[%get3A_504, %get3A_505] {strides = array<i32>} : memref<200x128xf32, #tpu.memory_space<vmem>>, vector<16xf32>,
          %add3A_507 = arith.addf %add3A_459, %get3A_506 : vector<16xf32>
          %add3A_508 = arith.constant 7 : i32
          %add3A_509 = arith.addi %mul3A_142, %add3A_508 : i32
          %get3A_510 = arith.index_cast %add3A_509 : i32 to index
          %get3A_511 = arith.constant 80 : index
          %get3A_512 = tpu.vector_load %arg8[%get3A_510, %get3A_511] {strides = array<i32>} : memref<200x128xf32, #tpu.memory_space<vmem>>, vector<16xf32>,
          %add3A_513 = arith.addf %add3A_465, %get3A_512 : vector<16xf32>
          %add3A_514 = arith.constant 7 : i32
          %add3A_515 = arith.addi %mul3A_142, %add3A_514 : i32
          %get3A_516 = arith.index_cast %add3A_515 : i32 to index
          %get3A_517 = arith.constant 96 : index
          %get3A_518 = tpu.vector_load %arg8[%get3A_516, %get3A_517] {strides = array<i32>} : memref<200x128xf32, #tpu.memory_space<vmem>>, vector<16xf32>,
          %add3A_519 = arith.addf %add3A_471, %get3A_518 : vector<16xf32>
          %add3A_520 = arith.constant 7 : i32
          %add3A_521 = arith.addi %mul3A_142, %add3A_520 : i32
          %get3A_522 = arith.index_cast %add3A_521 : i32 to index
          %get3A_523 = arith.constant 112 : index
          %get3A_524 = tpu.vector_load %arg8[%get3A_522, %get3A_523] {strides = array<i32>} : memref<200x128xf32, #tpu.memory_space<vmem>>, vector<16xf32>,
          %add3A_525 = arith.addf %add3A_477, %get3A_524 : vector<16xf32>
          scf.yield %add3A_483, %add3A_489, %add3A_495, %add3A_501, %add3A_507, %add3A_513, %add3A_519, %add3A_525 : vector<16xf32>, vector<16xf32>, vector<16xf32>, vector<16xf32>, vector<16xf32>, vector<16xf32>, vector<16xf32>, vector<16xf32>
        }
        %scan3A_108 = arith.constant 25 : i32
        %swap3A = arith.index_cast %add3A_81 : i32 to index
        %swap3A_109 = arith.constant 0 : index
        %swap3A_110 = tpu.vector_load %arg9[%swap3A, %swap3A_109] {strides = array<i32>} : memref<128x128xf32, #tpu.memory_space<vmem>>, vector<16xf32>,
        tpu.vector_store %arg9[%swap3A, %swap3A_109], %scan3A_107#0 {strides = array<i32>} : memref<128x128xf32, #tpu.memory_space<vmem>>, vector<16xf32>,
        %swap3A_111 = arith.index_cast %add3A_81 : i32 to index
        %swap3A_112 = arith.constant 16 : index
        %swap3A_113 = tpu.vector_load %arg9[%swap3A_111, %swap3A_112] {strides = array<i32>} : memref<128x128xf32, #tpu.memory_space<vmem>>, vector<16xf32>,
        tpu.vector_store %arg9[%swap3A_111, %swap3A_112], %scan3A_107#1 {strides = array<i32>} : memref<128x128xf32, #tpu.memory_space<vmem>>, vector<16xf32>,
        %swap3A_114 = arith.index_cast %add3A_81 : i32 to index
        %swap3A_115 = arith.constant 32 : index
        %swap3A_116 = tpu.vector_load %arg9[%swap3A_114, %swap3A_115] {strides = array<i32>} : memref<128x128xf32, #tpu.memory_space<vmem>>, vector<16xf32>,
        tpu.vector_store %arg9[%swap3A_114, %swap3A_115], %scan3A_107#2 {strides = array<i32>} : memref<128x128xf32, #tpu.memory_space<vmem>>, vector<16xf32>,
        %swap3A_117 = arith.index_cast %add3A_81 : i32 to index
        %swap3A_118 = arith.constant 48 : index
        %swap3A_119 = tpu.vector_load %arg9[%swap3A_117, %swap3A_118] {strides = array<i32>} : memref<128x128xf32, #tpu.memory_space<vmem>>, vector<16xf32>,
        tpu.vector_store %arg9[%swap3A_117, %swap3A_118], %scan3A_107#3 {strides = array<i32>} : memref<128x128xf32, #tpu.memory_space<vmem>>, vector<16xf32>,
        %swap3A_120 = arith.index_cast %add3A_81 : i32 to index
        %swap3A_121 = arith.constant 64 : index
        %swap3A_122 = tpu.vector_load %arg9[%swap3A_120, %swap3A_121] {strides = array<i32>} : memref<128x128xf32, #tpu.memory_space<vmem>>, vector<16xf32>,
        tpu.vector_store %arg9[%swap3A_120, %swap3A_121], %scan3A_107#4 {strides = array<i32>} : memref<128x128xf32, #tpu.memory_space<vmem>>, vector<16xf32>,
        %swap3A_123 = arith.index_cast %add3A_81 : i32 to index
        %swap3A_124 = arith.constant 80 : index
        %swap3A_125 = tpu.vector_load %arg9[%swap3A_123, %swap3A_124] {strides = array<i32>} : memref<128x128xf32, #tpu.memory_space<vmem>>, vector<16xf32>,
        tpu.vector_store %arg9[%swap3A_123, %swap3A_124], %scan3A_107#5 {strides = array<i32>} : memref<128x128xf32, #tpu.memory_space<vmem>>, vector<16xf32>,
        %swap3A_126 = arith.index_cast %add3A_81 : i32 to index
        %swap3A_127 = arith.constant 96 : index
        %swap3A_128 = tpu.vector_load %arg9[%swap3A_126, %swap3A_127] {strides = array<i32>} : memref<128x128xf32, #tpu.memory_space<vmem>>, vector<16xf32>,
        tpu.vector_store %arg9[%swap3A_126, %swap3A_127], %scan3A_107#6 {strides = array<i32>} : memref<128x128xf32, #tpu.memory_space<vmem>>, vector<16xf32>,
        %swap3A_129 = arith.index_cast %add3A_81 : i32 to index
        %swap3A_130 = arith.constant 112 : index
        %swap3A_131 = tpu.vector_load %arg9[%swap3A_129, %swap3A_130] {strides = array<i32>} : memref<128x128xf32, #tpu.memory_space<vmem>>, vector<16xf32>,
        tpu.vector_store %arg9[%swap3A_129, %swap3A_130], %scan3A_107#7 {strides = array<i32>} : memref<128x128xf32, #tpu.memory_space<vmem>>, vector<16xf32>,
      } else {
      }
      %scan3A_96 = arith.constant 0 : i32
      scf.yield %scan3A_96 : i32
    }
    %scan3A_47 = arith.constant 43 : i32
    "tpu.region"() ({
      %run_scoped3A = tpu.sem_alloc : memref<!tpu.dma_semaphore, #tpu.memory_space<semaphore_mem>>
      %dma_start3A_48 = arith.constant 0 : i32
      %dma_start3A_49 = tpu.memref_slice %arg4[%mul3A_2, %dma_start3A_48] : memref<4096x128xf32, #tpu.memory_space<hbm>> -> memref<128x128xf32, #tpu.memory_space<hbm>>
      %dma_start3A_50 = arith.constant 0 : i32
      %dma_start3A_51 = tpu.memref_slice %arg4[%mul3A_2, %dma_start3A_50] : memref<4096x128xf32, #tpu.memory_space<hbm>> -> memref<128x128xf32, #tpu.memory_space<hbm>>
      tpu.enqueue_dma source(%arg9 : memref<128x128xf32, #tpu.memory_space<vmem>>) target(%dma_start3A_51 : memref<128x128xf32, #tpu.memory_space<hbm>>) target_semaphore(%run_scoped3A : memref<!tpu.dma_semaphore, #tpu.memory_space<semaphore_mem>>)
      %dma_wait3A = arith.constant 0 : i32
      %dma_wait3A_52 = tpu.memref_slice %arg4[%mul3A_2, %dma_wait3A] : memref<4096x128xf32, #tpu.memory_space<hbm>> -> memref<128x128xf32, #tpu.memory_space<hbm>>
      %dma_wait3A_53 = arith.constant 0 : i32
      %dma_wait3A_54 = tpu.memref_slice %arg4[%mul3A_2, %dma_wait3A_53] : memref<4096x128xf32, #tpu.memory_space<hbm>> -> memref<128x128xf32, #tpu.memory_space<hbm>>
      tpu.wait_dma2 semaphore(%run_scoped3A : memref<!tpu.dma_semaphore, #tpu.memory_space<semaphore_mem>>) src(%arg9 : memref<128x128xf32, #tpu.memory_space<vmem>>) dst(%dma_wait3A_54 : memref<128x128xf32, #tpu.memory_space<hbm>>)
      tpu.yield
    }) : () -> ()
    return
  }
}

module attributes {stable_mosaic.version = 14 : i64} {
  func.func @_mlp_body(%arg0: memref<4096x128xf32, #tpu.memory_space<vmem>>, %arg1: memref<128x128xf32, #tpu.memory_space<vmem>>, %arg2: memref<1x128xf32, #tpu.memory_space<vmem>>, %arg3: memref<1x128xf32, #tpu.memory_space<vmem>>, %arg4: memref<1x1xf32, #tpu.memory_space<vmem>>, %arg5: memref<4096x1xf32, #tpu.memory_space<vmem>>) attributes {dimension_semantics = [], scalar_prefetch = 0 : i64, scratch_operands = 0 : i64, tpu.core_type = #tpu.core_type<tc>} {
    %get3A = arith.constant 0 : index
    %get3A_0 = arith.constant 0 : index
    %get3A_1 = vector.load %arg0[%get3A, %get3A_0] : memref<4096x128xf32, #tpu.memory_space<vmem>>, vector<4096x128xf32>
    %mul3A = arith.constant 5.000000e-03 : f32
    %mul3A_2 = vector.broadcast %mul3A : f32 to vector<4096x128xf32>
    %mul3A_3 = arith.mulf %get3A_1, %mul3A_2 : vector<4096x128xf32>
    %get3A_4 = arith.constant 0 : index
    %get3A_5 = arith.constant 0 : index
    %get3A_6 = vector.load %arg1[%get3A_4, %get3A_5] : memref<128x128xf32, #tpu.memory_space<vmem>>, vector<128x128xf32>
    %dot_general3A = arith.constant dense<0.000000e+00> : vector<4096x128xf32>
    %dot_general3A_7 = tpu.matmul %mul3A_3, %get3A_6, %dot_general3A {dimension_numbers = #tpu.dot_dimension_numbers<[1], [0], [0], [1], [0, 0, 1, 1], [], []>, transpose_lhs_hint = false} : vector<4096x128xf32>, vector<128x128xf32>, vector<4096x128xf32> -> vector<4096x128xf32>
    %get3A_8 = arith.constant 0 : index
    %get3A_9 = arith.constant 0 : index
    %get3A_10 = vector.load %arg2[%get3A_8, %get3A_9] : memref<1x128xf32, #tpu.memory_space<vmem>>, vector<1x128xf32>
    %add3A = vector.broadcast %get3A_10 : vector<1x128xf32> to vector<4096x128xf32>
    %add3A_11 = arith.addf %dot_general3A_7, %add3A : vector<4096x128xf32>
    %max3A = arith.constant 0.000000e+00 : f32
    %max3A_12 = vector.broadcast %max3A : f32 to vector<4096x128xf32>
    %max3A_13 = arith.maximumf %add3A_11, %max3A_12 : vector<4096x128xf32>
    %get3A_14 = arith.constant 0 : index
    %get3A_15 = arith.constant 0 : index
    %get3A_16 = vector.load %arg3[%get3A_14, %get3A_15] : memref<1x128xf32, #tpu.memory_space<vmem>>, vector<1x128xf32>
    %mul3A_17 = vector.broadcast %get3A_16 : vector<1x128xf32> to vector<4096x128xf32>
    %mul3A_18 = arith.mulf %max3A_13, %mul3A_17 : vector<4096x128xf32>
    %reduce_sum3A = arith.constant dense<0.000000e+00> : vector<4096xf32>
    %reduce_sum3A_19 = vector.multi_reduction <add>, %mul3A_18, %reduce_sum3A [1] : vector<4096x128xf32> to vector<4096xf32>
    %broadcast_in_dim3A = vector.shape_cast %reduce_sum3A_19 : vector<4096xf32> to vector<4096x1xf32>
    %get3A_20 = arith.constant 0 : index
    %get3A_21 = arith.constant 0 : index
    %get3A_22 = vector.load %arg4[%get3A_20, %get3A_21] : memref<1x1xf32, #tpu.memory_space<vmem>>, vector<1x1xf32>
    %add3A_23 = vector.broadcast %get3A_22 : vector<1x1xf32> to vector<4096x1xf32>
    %add3A_24 = arith.addf %broadcast_in_dim3A, %add3A_23 : vector<4096x1xf32>
    %swap3A = arith.constant 0 : index
    %swap3A_25 = arith.constant 0 : index
    %swap3A_26 = vector.load %arg5[%swap3A, %swap3A_25] : memref<4096x1xf32, #tpu.memory_space<vmem>>, vector<4096x1xf32>
    tpu.vector_store %arg5[%swap3A, %swap3A_25], %add3A_24 {strides = array<i32>} : memref<4096x1xf32, #tpu.memory_space<vmem>>, vector<4096x1xf32>,
    return
  }
}

</mosaic_0001>

<sc_bundles>
// kernel: kernel.4.cloned.1.call-start
scs
__scs_entry_jumppad:
0x0: {  	(pc) =	sbr.rel $0x88, $3  }
0x1: {  	(tag) =	ssettag $0x0;
	lr =	simm.s32 $0x1  }
0x2: {  	[smem:$0x3F9B] =	sst lr;
	_ =	strace $0xD0000000  }
0x3: {  	_ = 	snop  }
0x4: {  	_ = 	snop  }
0x5: {  	_ = 	snop  }
0x6: {  	_ = 	snop  }
0x7: {  	_ = 	snop  }
__scs_overlays_trampoline_lowered:
0x8: {  	[smem:$0x3FAA] =	sst s0  }
0x9: {  	[smem:$0x3FAB] =	sst s1  }
0xa: {  	[smem:$0x3FAC] =	sst s2  }
0xb: {  	[smem:$0x3FAD] =	sst s3  }
0xc: {  	[smem:$0x3FAE] =	sst s4  }
0xd: {  	[smem:$0x3FAF] =	sst s5  }
0xe: {  	[smem:$0x3FB0] =	sst s6  }
0xf: {  	[smem:$0x3FB1] =	sst s7  }
0x10: {  	[smem:$0x3FB2] =	sst s8  }
0x11: {  	[smem:$0x3FB3] =	sst s9;
	s0 =	simm.s32 @!p0 $0x0  }
0x12: {  	s1 =	sld [smem:$0x3F99];
	s0 =	simm.s32 @p0 $0x1  }
0x13: {  	[smem:$0x3FB4] =	sst s0;
	s0 =	simm.s32 @!p1 $0x0  }
0x14: {  	s2 =	sld [smem:$0x3F98];
	s0 =	simm.s32 @p1 $0x1  }
0x15: {  	[smem:$0x3FB5] =	sst s0;
	s0 =	simm.s32 @!p2 $0x0  }
0x16: {  	s3 =	sld [smem:$0x3FDB];
	s0 =	simm.s32 @p2 $0x1  }
0x17: {  	s4 =	simm.s32 $0x1BF5;
	[smem:$0x3FB7] =	sst s0  }
0x18: {  	s0 =	sld [smem:$0x3F9A];
	_ =	swait.ge [sflag:s4], $0x0  }
0x19: {  	s7 =	sld [smem:$0x3F9B]  }
0x1a: {  	s8 =	sadd.s32 $0xFFFFE003, lr  }
0x1b: {  	s9 =	sadd.s32 $0xFFFFFEF7, lr;
	s5 =	simm.s32 $0xFFFFFFFF;
	p2 =	slt.u32 s8, $0xFFFFF086  }
0x1c: {  	p1 =	slt.u32 s9, $0xF7A;
	s5 =	simm.s32 @!p2 $0x0  }
0x1d: {  	s5 =	simm.s32 @p1 $0x1;
	p0 =	seq.s32 s7, s2  }
0x1e: {  	s7 =	smul.u32 @!p0 $0xF7A, s2;
	p2 =	seq.s32 @!p0 s5, $0x0  }
0x1f: {  	s9 =	smul.u32 $0xF7A, s1;
	s8 =	simm.s32 @!p0 $0x1BF5;
	p2 =	por !p2, p0  }
0x20: {  	[sflag:s8] =	ssyncset.s32 @!p0 $0xFFFFF086;
	s6 =	sadd.s32 @!p0 s3, s7;
	s7 =	simm.s32 @!p0 $0x108  }
0x21: {  	s3 =	sadd.s32 s3, s9;
	s6 =	sadd.s32 @!p0 $0x88, s6;
	s7 =	simm.s32 @p2 $0x1082  }
0x22: {  	[simem:s7], [sflag:s8] =	dma.local @!p0 [hbm:s6], $0xF7A  }
0x23: {  	s9 =	sor.u32 $0xD0000000, s2;
	s6 =	simm.s32 $0x108;
	_ =	swait.ge @!p0 [sflag:s8], $0x0  }
0x24: {  	s3 =	sadd.s32 $0x88, s3;
	s6 =	simm.s32 @!p1 $0x1082;
	[sflag:s4] =	ssyncset.s32 $0xFFFFF086  }
0x25: {  	[simem:s6], [sflag:s4] =	dma.local [hbm:s3], $0xF7A  }
0x26: {  	[smem:$0x3F9B] =	sst s1;
	(tag) =	ssettag s2;
	_ =	strace s9  }
0x27: {  	s1 =	sld [smem:$0x3FAB]  }
0x28: {  	s2 =	sld [smem:$0x3FAC]  }
0x29: {  	s4 =	sld [smem:$0x3FAE]  }
0x2a: {  	p0 =	seq.s32 s5, $0x0;
	s5 =	sld [smem:$0x3FAF]  }
0x2b: {  	s6 =	sld [smem:$0x3FB0]  }
0x2c: {  	s7 =	sld [smem:$0x3FB1]  }
0x2d: {  	s3 =	simm.s32 $0x108;
	s8 =	sld [smem:$0x3FB2]  }
0x2e: {  	s3 =	simm.s32 @!p0 $0x1082;
	s9 =	sld [smem:$0x3FB3]  }
0x2f: {  	lr =	sadd.s32 s0, s3;
	s0 =	sld [smem:$0x3FAA]  }
0x30: {  	s3 =	sld [smem:$0x3FAD]  }
0x31: {  	[smem:$0x3FB6] =	sst s10  }
0x32: {  	s10 =	sld [smem:$0x3FB4];
	_ =	sdelay $0x3  }
0x33: {  	p0 =	seq.s32 s10, $0x1;
	s10 =	sld [smem:$0x3FB6];
	_ =	sdelay $0x3  }
0x34: {  	[smem:$0x3FB6] =	sst s10  }
0x35: {  	s10 =	sld [smem:$0x3FB5];
	_ =	sdelay $0x3  }
0x36: {  	p1 =	seq.s32 s10, $0x1;
	s10 =	sld [smem:$0x3FB6];
	_ =	sdelay $0x3  }
0x37: {  	[smem:$0x3FB6] =	sst s10  }
0x38: {  	s10 =	sld [smem:$0x3FB7]  }
0x39: {  	_ = 	snop;
	(pc) =	sbr.ind lr, $3  }
0x3a: {  	_ = 	snop  }
0x3b: {  	_ = 	snop  }
0x3c: {  	p2 =	seq.s32 s10, $0x1;
	s10 =	sld [smem:$0x3FB6]  }
0x3d: {  	_ =	shalt  }
0x3e: {  	_ =	shalt  }
0x3f: {  	_ =	shalt  }
0x40: {  	_ =	shalt  }
0x41: {  	_ =	shalt  }
0x42: {  	_ =	shalt  }
0x43: {  	_ =	shalt  }
0x44: {  	_ =	shalt  }
0x45: {  	_ =	shalt  }
0x46: {  	_ =	shalt  }
0x47: {  	_ =	shalt  }
0x48: {  	_ =	shalt  }
0x49: {  	_ =	shalt  }
0x4a: {  	_ =	shalt  }
0x4b: {  	_ =	shalt  }
0x4c: {  	_ =	shalt  }
0x4d: {  	_ =	shalt  }
0x4e: {  	_ =	shalt  }
0x4f: {  	_ =	shalt  }
0x50: {  	_ =	shalt  }
0x51: {  	_ =	shalt  }
0x52: {  	_ =	shalt  }
0x53: {  	_ =	shalt  }
0x54: {  	_ =	shalt  }
0x55: {  	_ =	shalt  }
0x56: {  	_ =	shalt  }
0x57: {  	_ =	shalt  }
0x58: {  	_ =	shalt  }
0x59: {  	_ =	shalt  }
0x5a: {  	_ =	shalt  }
0x5b: {  	_ =	shalt  }
0x5c: {  	_ =	shalt  }
0x5d: {  	_ =	shalt  }
0x5e: {  	_ =	shalt  }
0x5f: {  	_ =	shalt  }
0x60: {  	_ =	shalt  }
0x61: {  	_ =	shalt  }
0x62: {  	_ =	shalt  }
0x63: {  	_ =	shalt  }
0x64: {  	_ =	shalt  }
0x65: {  	_ =	shalt  }
0x66: {  	_ =	shalt  }
0x67: {  	_ =	shalt  }
0x68: {  	_ =	shalt  }
0x69: {  	_ =	shalt  }
0x6a: {  	_ =	shalt  }
0x6b: {  	_ =	shalt  }
0x6c: {  	_ =	shalt  }
0x6d: {  	_ =	shalt  }
0x6e: {  	_ =	shalt  }
0x6f: {  	_ =	shalt  }
0x70: {  	_ =	shalt  }
0x71: {  	_ =	shalt  }
0x72: {  	_ =	shalt  }
0x73: {  	_ =	shalt  }
0x74: {  	_ =	shalt  }
0x75: {  	_ =	shalt  }
0x76: {  	_ =	shalt  }
0x77: {  	_ =	shalt  }
0x78: {  	_ =	shalt  }
0x79: {  	_ =	shalt  }
0x7a: {  	_ =	shalt  }
0x7b: {  	_ =	shalt  }
0x7c: {  	_ =	shalt  }
0x7d: {  	_ =	shalt  }
0x7e: {  	_ =	shalt  }
0x7f: {  	_ =	shalt  }
0x80: {  	_ =	shalt  }
0x81: {  	_ =	shalt  }
0x82: {  	_ =	shalt  }
0x83: {  	_ =	shalt  }
0x84: {  	_ =	shalt  }
0x85: {  	_ =	shalt  }
0x86: {  	_ =	shalt  }
0x87: {  	_ =	shalt  }
.Lfunc_end0:
.L_simem_size_0:
called_computation_lowered:
.L_overlay_start_0:
0x88: {  	s2 =	sld [smem:$0x3FD9]  }
0x89: {  	s3 =	sld [smem:$0x3FFE];
	_ =	sdelay $0x1  }
0x8a: {  	s1 =	srdreg.scid  }
0x8b: {  	s0 =	sand.u32 $0x1, s1  }
0x8c: {  	s17 =	sshll.u32 s0, $0xA;
	s2 =	sadd.s32 s3, s2  }
0x8d: {  	s2 =	sadd.s32 s2, s17  }
0x8e: {  	[smem:$0x3FC2] =	sst s2  }
0x8f: {  	_ = 	snop  }
0x90: {  	s2 =	sld [smem:$0x3FC8];
	(tm) =	ssettm $0x1  }
0x91: {  	s18 =	sld [smem:$0x3FFB];
	_ =	sdelay $0x3  }
0x92: {  	_ =	strace s18  }
0x93: {  	s3 =	sld [smem:$0x3FFC];
	_ =	sdelay $0x3  }
0x94: {  	_ =	strace s3  }
0x95: {  	s3 =	sld [smem:$0x3FFD];
	_ =	sdelay $0x3  }
0x96: {  	_ =	strace s3  }
0x97: {  	_ =	strace $0x8FFFFFFF  }
0x98: {  	s19 =	sld [smem:$0x3FDB];
	_ =	sdelay $0x1  }
0x99: {  	s4 =	simm.s32 $_scs_section_size  }
0x9a: {  	s5 =	simm.s32 $_size__tile_overlayer_lowered;
	s6 =	simm.s32 $_tile_overlayer_lowered  }
0x9b: {  	s22 =	simm.s32 $0x1BFF;
	s21 =	sshll.u32 s6, $0x1;
	s3 =	sadd.s32 s4, s19  }
0x9c: {  	s7 =	simm.s32 $0x0;
	s20 =	sshll.u32 s5, $0x1;
	s5 =	sadd.s32 s21, s3  }
0x9d: {  	[timem:s7], [sflag:s22] =	dma.local [hbm:s5], s20  }
0x9e: {  	_ =	swait.ge [sflag:s22], s20  }
0x9f: {  	s4 =	ssub.s32 $0x0, s20;
	[sflag:s22] =	ssyncset.done $0x0  }
0xa0: {  	[sflag:s22] =	ssyncadd.s32 s4;
	_ =	sdelay $0x1  }
0xa1: {  	s23 =	simm.s32 $0x1B8B  }
0xa2: {  	_ =	swait.ge [sflag:s23], $0x1  }
0xa3: {  	[sflag:s23] =	ssyncset.done $0x0  }
0xa4: {  	s25 =	simm.s32 $0x1B8E;
	s24 =	sld [smem:$0x3FFE];
	[sflag:s23] =	ssyncadd.s32 $0xFFFFFFFF  }
0xa5: {  	s26 =	simm.s32 $execute0_lowered;
	[smem:$0x3FD2] =	sst s25  }
0xa6: {  	s5 =	sshll.u32 s26, $0x1;
	_ =	strace $0x80000046;
	[dreg:$0x1] =	wrdreg $0xFFFFFFFF  }
0xa7: {  	s28 =	simm.s32 $_size_execute0_lowered;
	s3 =	sadd.s32 s3, s5;
	[dreg:$0x0] =	wrdreg $0x0  }
0xa8: {  	s5 =	sshll.u32 s28, $0x1;
	[dreg:$0x2] =	wrdreg s3  }
0xa9: {  	[dreg:$0x3] =	wrdreg s5  }
0xaa: {  	[dreg:$0x4] =	wrdreg $0xC0  }
0xab: {  	_ =	task [dreg:s7], $0x5FFFF  }
0xac: {  	[dreg:$0x1] =	wrdreg $0xFFFFFFFF  }
0xad: {  	[dreg:$0x0] =	wrdreg $0x60  }
0xae: {  	[dreg:$0x2] =	wrdreg s24  }
0xaf: {  	[dreg:$0x3] =	wrdreg s2  }
0xb0: {  	[dreg:$0x4] =	wrdreg $0x9  }
0xb1: {  	_ =	task.clear_ibuf [dreg:s7], $0x5FFFF;
	_ =	strace $0x90000046  }
0xb2: {  	s29 =	simm.s32 $0x9;
	_ =	strace $0x80000048  }
0xb3: {  	_ =	swait.ge [sflag:s29], $0x1  }
0xb4: {  	[sflag:s29] =	ssyncadd.s32 $0xFFFFFFFF  }
0xb5: {  	_ =	strace $0x90000048  }
0xb6: {  	_ =	sfence  }
0xb7: {  	s30 =	sld [smem:$0x0];
	_ =	sdelay $0x2  }
0xb8: {  	s31 =	sshll.u32 s1, $0xD;
	s1 =	sshrl.u32 s1, $0x2  }
0xb9: {  	s3 =	sand.u32 $0x4000, s31;
	s1 =	sadd.s32 s1, s30  }
0xba: {  	s0 =	sor.u32 s3, s0;
	s1 =	sshll.u32 s1, $0x11  }
0xbb: {  	s0 =	sor.u32 s1, s0  }
0xbc: {  	s0 =	sadd.s32 $0x8F2B, s0  }
0xbd: {  	[sflag:s0] =	ssyncadd.remote.s32 $0x1  }
0xbe: {  	_ =	sfence.sel $0xFFFF  }
0xbf: {  	[dreg:$0x0] =	wrdreg $0xFFFFFFFF;
	(pc) =	sbr.abs _section_cstart, $3  }
0xc0: {  	[dreg:$0x1] =	wrdreg $0xFFFFFFFF  }
0xc1: {  	_ =	task.clear_ibuf [dreg:s7], $0x2FFFF;
	_ =	strace $0x9FFFFFFF  }
0xc2: {  	(tm) =	ssettm $0x7FFFFFFF  }
0xc3: {  	_ =	shalt  }
tec
execute0_lowered:
.L_overlay_start_1:
0x0: {  	(tag) =	ssettag $0x1  }
0x1: {  	s4 =	rddreg [dreg:$0x0]  }
0x2: {  	s2 =	rddreg [dreg:$0x1]  }
0x3: {  	s0 =	rddreg [dreg:$0x2];
	s5 =	srdreg.scid  }
0x4: {  	s3 =	simm.s32 $0x0;
	s1 =	stileid.u32;
	s9 =	simm.s32 $0x8000  }
0x5: {  	s10 =	simm.s32 $0x48;
	s11 =	simm.s32 $0x400;
	s12 =	simm.s32 $0xC000  }
0x6: {  	s13 =	simm.s32 $0xE400;
	s14 =	simm.s32 $0x480;
	s15 =	simm.s32 $0x12400  }
0x7: {  	s16 =	simm.s32 $0x1;
	s17 =	simm.s32 $0x2;
	s18 =	simm.s32 $0x1AC00  }
0x8: {  	s19 =	simm.s32 $0x3;
	s20 =	simm.s32 $0x0;
	s5 =	sand.u32 $0x1, s5  }
0x9: {  	[smem:$0x7FF] =	sst s3;
	s6 =	sshll.u32 s1, $0x8;
	s7 =	sshll.u32 s5, $0x7  }
.Ltmp0:
0xa: {  	_ =	strace $0x80000047;
	s6 =	sor.u32 s7, s6;
	(pc) =	sbr.rel .LBB2_1-.Ltmp0, $4  }
0xb: {  	s5 =	ssub.s32 $0x2, s5;
	s7 =	sshll.u32 s6, $0x5;
	s6 =	sshll.u32 s6, $0x4  }
0xc: {  	s31 =	sshrl.u32 s5, $0x1;
	s7 =	sadd.s32 s7, s4;
	s6 =	sadd.s32 s6, s4  }
0xd: {  	s8 =	ssub.s32 s5, s31;
	s4 =	sadd.s32 $0x800, s7;
	s5 =	sadd.s32 $0x20800, s6  }
0xe: {  	s6 =	smax.u32 s8, $0x1;
	s7 =	simm.s32 $0x4;
	s8 =	simm.s32 $0x80  }
.LBB2_10:
0xf: {  	s20 =	sadd.s32 $0x1, s20  }
0x10: {  	p0 =	sne.s32 s20, s6  }
.Ltmp1:
0x11: {  	_ = 	snop;
	(pc) =	sbr.rel @!p0 .LBB2_11-.Ltmp1, $4  }
0x12: {  	[hbm4b:s5+s3] =	stream.linear.scatter [tilespmem:s18], [sflag:$0x4], $0x4000, $0x38;
	[tilespmem:$0x1EC00] =	vst v63  }
0x13: {  	_ =	swait.ge [sflag:s7], $0x4000  }
0x14: {  	[sflag:s7] =	ssyncset.done $0x0  }
0x15: {  	[sflag:s7] =	ssyncadd.s32 $0xFFFFC000  }
.LBB2_1:
0x16: {  	[tilespmem:s3], [sflag:$0x4] =	stream.linear.gather [hbm4b:s4+s3], $0x8000, $0x38;
	[tilespmem:$0x1EC00] =	vst v63  }
0x17: {  	_ =	swait.ge [sflag:s7], $0x8000  }
0x18: {  	[sflag:s7] =	ssyncset.done $0x0  }
0x19: {  	[sflag:s7] =	ssyncadd.s32 $0xFFFF8000  }
0x1a: {  	[tilespmem:s9], [sflag:$0x1] =	stream.indirect.gather [hbm4b:s2+s8], $0x80, s3, s8, $0xb8;
	[tilespmem:$0x1EC00] =	vst v63  }
0x1b: {  	_ = 	snop  }
0x1c: {  	[tilespmem:s12], [sflag:$0x1] =	stream.indirect.gather [hbm4b:s2+s10], $0x80, s11, s10, $0xb8;
	[tilespmem:$0x1EC00] =	vst v63  }
0x1d: {  	_ = 	snop  }
0x1e: {  	[tilespmem:s13], [sflag:$0x2] =	stream.indirect.gather [hbm4b:s2+s8], $0x80, s8, s8, $0xb8;
	[tilespmem:$0x1EC00] =	vst v63  }
0x1f: {  	s21 =	simm.s32 $0x0  }
0x20: {  	[tilespmem:s15], [sflag:$0x2] =	stream.indirect.gather [hbm4b:s2+s10], $0x80, s14, s10, $0xb8;
	[tilespmem:$0x1EC00] =	vst v63  }
.LBB2_2:
0x21: {  	s23 =	smul.u32 $0x3, s21;
	_ =	sdelay $0x1  }
0x22: {  	p0 =	seq.s32 s21, $0x2A;
	s22 =	sadd.s32 $0x2, s23  }
0x23: {  	s24 =	sshll.u32 @!p0 s22, $0x8;
	s25 =	sshll.u32 @!p0 s22, $0x7  }
0x24: {  	s24 =	sand.u32 @!p0 $0x1F800, s24;
	s25 =	sand.u32 @!p0 $0x380, s25  }
0x25: {  	s26 =	simm.s32 @!p0 $0x14800;
	s24 =	sor.u32 @!p0 s25, s24;
	s25 =	simm.s32 @!p0 $0x80  }
0x26: {  	[tilespmem:s26], [sflag:$0x3] =	stream.indirect.gather @!p0 [hbm4b:s2+s25], $0x80, s24, s25, $0xb8;
	[tilespmem:$0x1EC00] =	vst v63  }
0x27: {  	s24 =	sor.u32 @!p0 $0x400, s24;
	s25 =	simm.s32 @!p0 $0x48;
	s26 =	simm.s32 @!p0 $0x18800  }
0x28: {  	[tilespmem:s26], [sflag:$0x3] =	stream.indirect.gather @!p0 [hbm4b:s2+s25], $0x80, s24, s25, $0xb8;
	[tilespmem:$0x1EC00] =	vst v63  }
0x29: {  	_ =	swait.ge [sflag:s16], $0x6400  }
0x2a: {  	[sflag:s16] =	ssyncset.done $0x0  }
0x2b: {  	s24 =	simm.s32 $0x0;
	[sflag:s16] =	ssyncadd.s32 $0xFFFF9C00  }
0x2c: {  	v6 =	vld [tilespmem:s24+$0x8380]  }
0x2d: {  	v7 =	vld [tilespmem:s24+$0x8390]  }
0x2e: {  	v8 =	vld [tilespmem:s24+$0x83A0]  }
0x2f: {  	v9 =	vld [tilespmem:s24+$0x83B0]  }
0x30: {  	v0 =	vld [tilespmem:s24+$0x83C0]  }
0x31: {  	v1 =	vld [tilespmem:s24+$0x83D0]  }
0x32: {  	v14 =	vld [tilespmem:s24+$0x8300]  }
0x33: {  	v16 =	vld [tilespmem:s24+$0x8310]  }
0x34: {  	v13 =	vld [tilespmem:s24+$0x8320]  }
0x35: {  	v15 =	vld [tilespmem:s24+$0x8330]  }
0x36: {  	v3 =	vld [tilespmem:s24+$0x8340]  }
0x37: {  	v2 =	vld [tilespmem:s24+$0x8350]  }
0x38: {  	v17 =	vld [tilespmem:s24+$0x8280]  }
0x39: {  	v18 =	vld [tilespmem:s24+$0x8290]  }
0x3a: {  	v19 =	vld [tilespmem:s24+$0x82A0]  }
0x3b: {  	v24 =	vld [tilespmem:s24+$0x82B0]  }
0x3c: {  	v4 =	vld [tilespmem:s24+$0x82C0]  }
0x3d: {  	v5 =	vld [tilespmem:s24+$0x82D0]  }
0x3e: {  	v21 =	vld [tilespmem:s24+$0x8200]  }
0x3f: {  	v22 =	vld [tilespmem:s24+$0x8210]  }
0x40: {  	v23 =	vld [tilespmem:s24+$0x8220]  }
0x41: {  	v30 =	vld [tilespmem:s24+$0x8230]  }
0x42: {  	v10 =	vld [tilespmem:s24+$0x8240]  }
0x43: {  	v27 =	vld [tilespmem:s24+$0x8180]  }
0x44: {  	v28 =	vld [tilespmem:s24+$0x8190]  }
0x45: {  	v25 =	vld [tilespmem:s24+$0x8100]  }
0x46: {  	v26 =	vld [tilespmem:s24+$0x8110]  }
0x47: {  	v11 =	vld [tilespmem:s24+$0x8080]  }
0x48: {  	v20 =	vld [tilespmem:s24+$0x8090]  }
0x49: {  	v29 =	vld [tilespmem:s24+$0x8000]  }
0x4a: {  	v31 =	vld [tilespmem:s24+$0x8010]  }
0x4b: {  	v32 =	vld [tilespmem:s24+$0x8020]  }
0x4c: {  	v33 =	vld [tilespmem:s24+$0x8030]  }
0x4d: {  	v34 =	vld [tilespmem:s24+$0x80A0]  }
0x4e: {  	v35 =	vld [tilespmem:s24+$0x80B0]  }
0x4f: {  	v12 =	vimm.f32 $0.0e+00;
	v36 =	vld [tilespmem:s24+$0x8120]  }
0x50: {  	v37 =	vld [tilespmem:s24+$0x8130];
	v29 =	vadd.f32 v29, v12;
	v31 =	vadd.f32 v31, v12  }
0x51: {  	v38 =	vld [tilespmem:s24+$0x81A0];
	v32 =	vadd.f32 v32, v12;
	v33 =	vadd.f32 v33, v12  }
0x52: {  	v39 =	vld [tilespmem:s24+$0x81B0];
	v29 =	vadd.f32 v11, v29;
	v31 =	vadd.f32 v20, v31  }
0x53: {  	v11 =	vld [tilespmem:s24+$0x8250];
	v32 =	vadd.f32 v34, v32;
	v33 =	vadd.f32 v35, v33  }
0x54: {  	v20 =	vld [tilespmem:s24+$0x81C0];
	v29 =	vadd.f32 v25, v29;
	v31 =	vadd.f32 v26, v31  }
0x55: {  	v25 =	vld [tilespmem:s24+$0x81D0];
	v32 =	vadd.f32 v36, v32;
	v33 =	vadd.f32 v37, v33  }
0x56: {  	v26 =	vld [tilespmem:s24+$0x8140];
	v29 =	vadd.f32 v27, v29;
	v31 =	vadd.f32 v28, v31  }
0x57: {  	v27 =	vld [tilespmem:s24+$0x8150];
	v32 =	vadd.f32 v38, v32;
	v33 =	vadd.f32 v39, v33  }
0x58: {  	v28 =	vld [tilespmem:s24+$0x80C0];
	v21 =	vadd.f32 v21, v29;
	v22 =	vadd.f32 v22, v31  }
0x59: {  	v29 =	vld [tilespmem:s24+$0x80D0];
	v23 =	vadd.f32 v23, v32;
	v63 =	vadd.f32 v30, v33  }
0x5a: {  	v30 =	vld [tilespmem:s24+$0x8040];
	v21 =	vadd.f32 v17, v21;
	v22 =	vadd.f32 v18, v22  }
0x5b: {  	v31 =	vld [tilespmem:s24+$0x8050];
	v23 =	vadd.f32 v19, v23;
	v24 =	vadd.f32 v24, v63  }
0x5c: {  	s25 =	simm.s32 $0x1000;
	v32 =	vld [tilespmem:s24+$0x8060];
	v19 =	vimm.f32 $0.0e+00;
	v18 =	vimm.f32 $0.0e+00;
	v17 =	vimm.f32 $0.0e+00  }
.LBB2_3:
0x5d: {  	p1 =	sne.s32 s25, $0x18000;
	v33 =	vld [tilespmem:s24+$0x8070];
	v14 =	vadd.f32 v14, v21;
	v16 =	vadd.f32 v16, v22  }
0x5e: {  	v34 =	vld [tilespmem:s24+$0x80E0];
	v13 =	vadd.f32 v13, v23;
	v15 =	vadd.f32 v15, v24  }
0x5f: {  	v35 =	vld [tilespmem:s24+$0x80F0];
	v21 =	vadd.f32 v6, v14;
	v22 =	vadd.f32 v7, v16  }
0x60: {  	v6 =	vld [tilespmem:s24+$0x8160];
	v23 =	vadd.f32 v8, v13;
	v24 =	vadd.f32 v9, v15  }
0x61: {  	v7 =	vadd.f32 v30, v12;
	v8 =	vadd.f32 v31, v19;
	v9 =	vld [tilespmem:s24+$0x8170]  }
0x62: {  	v12 =	vadd.f32 v32, v18;
	v13 =	vadd.f32 v33, v17;
	v14 =	vld [tilespmem:s24+$0x81E0]  }
0x63: {  	v7 =	vadd.f32 v28, v7;
	v8 =	vadd.f32 v29, v8;
	v15 =	vld [tilespmem:s24+$0x81F0]  }
0x64: {  	v12 =	vadd.f32 v34, v12;
	v13 =	vadd.f32 v35, v13;
	v16 =	vld [tilespmem:s24+$0x8260]  }
0x65: {  	v7 =	vadd.f32 v26, v7;
	v8 =	vadd.f32 v27, v8;
	v17 =	vld [tilespmem:s24+$0x8270]  }
0x66: {  	v6 =	vadd.f32 v6, v12;
	v9 =	vadd.f32 v9, v13;
	v12 =	vld [tilespmem:s24+$0x82E0]  }
0x67: {  	v7 =	vadd.f32 v20, v7;
	v8 =	vadd.f32 v25, v8;
	v13 =	vld [tilespmem:s24+$0x82F0]  }
0x68: {  	v6 =	vadd.f32 v14, v6;
	v9 =	vadd.f32 v15, v9;
	v14 =	vld [tilespmem:s24+$0x8360]  }
0x69: {  	v7 =	vadd.f32 v10, v7;
	v8 =	vadd.f32 v11, v8;
	v10 =	vld [tilespmem:s24+$0x8370]  }
0x6a: {  	v11 =	vadd.f32 v16, v6;
	v9 =	vadd.f32 v17, v9;
	v15 =	vld [tilespmem:s24+$0x83E0]  }
0x6b: {  	v4 =	vadd.f32 v4, v7;
	v5 =	vadd.f32 v5, v8;
	v16 =	vld [tilespmem:s24+$0x83F0];
	s24 =	sshra.s32 s25, $0x2  }
0x6c: {  	v11 =	vadd.f32 v12, v11;
	v6 =	vld [tilespmem:s24+$0x8380];
	v9 =	vadd.f32 v13, v9  }
0x6d: {  	v3 =	vadd.f32 v3, v4;
	v2 =	vadd.f32 v2, v5;
	v7 =	vld [tilespmem:s24+$0x8390]  }
0x6e: {  	v4 =	vadd.f32 v14, v11;
	v8 =	vld [tilespmem:s24+$0x83A0];
	v5 =	vadd.f32 v10, v9  }
0x6f: {  	v12 =	vadd.f32 v0, v3;
	v19 =	vadd.f32 v1, v2;
	v9 =	vld [tilespmem:s24+$0x83B0]  }
0x70: {  	v18 =	vadd.f32 v15, v4;
	v0 =	vld [tilespmem:s24+$0x83C0];
	v17 =	vadd.f32 v16, v5  }
0x71: {  	v1 =	vld [tilespmem:s24+$0x83D0]  }
0x72: {  	v14 =	vld [tilespmem:s24+$0x8300]  }
0x73: {  	v16 =	vld [tilespmem:s24+$0x8310]  }
0x74: {  	v13 =	vld [tilespmem:s24+$0x8320]  }
0x75: {  	v15 =	vld [tilespmem:s24+$0x8330]  }
0x76: {  	v3 =	vld [tilespmem:s24+$0x8340]  }
0x77: {  	v2 =	vld [tilespmem:s24+$0x8350]  }
0x78: {  	v32 =	vld [tilespmem:s24+$0x8280]  }
0x79: {  	v33 =	vld [tilespmem:s24+$0x8290]  }
0x7a: {  	v34 =	vld [tilespmem:s24+$0x82A0]  }
0x7b: {  	v35 =	vld [tilespmem:s24+$0x82B0]  }
0x7c: {  	v4 =	vld [tilespmem:s24+$0x82C0]  }
0x7d: {  	v5 =	vld [tilespmem:s24+$0x82D0]  }
0x7e: {  	v30 =	vld [tilespmem:s24+$0x8200]  }
0x7f: {  	v31 =	vld [tilespmem:s24+$0x8210]  }
0x80: {  	v36 =	vld [tilespmem:s24+$0x8220]  }
0x81: {  	v37 =	vld [tilespmem:s24+$0x8230]  }
0x82: {  	v10 =	vld [tilespmem:s24+$0x8240]  }
0x83: {  	v11 =	vld [tilespmem:s24+$0x8250]  }
0x84: {  	v28 =	vld [tilespmem:s24+$0x8180]  }
0x85: {  	v29 =	vld [tilespmem:s24+$0x8190]  }
0x86: {  	v25 =	vld [tilespmem:s24+$0x8100]  }
0x87: {  	v26 =	vld [tilespmem:s24+$0x8110]  }
0x88: {  	v20 =	vld [tilespmem:s24+$0x8080]  }
0x89: {  	v27 =	vld [tilespmem:s24+$0x8090]  }
0x8a: {  	v38 =	vld [tilespmem:s24+$0x8000]  }
0x8b: {  	v39 =	vld [tilespmem:s24+$0x8010]  }
0x8c: {  	v40 =	vld [tilespmem:s24+$0x8020]  }
0x8d: {  	v41 =	vld [tilespmem:s24+$0x8030]  }
0x8e: {  	v42 =	vld [tilespmem:s24+$0x80A0]  }
0x8f: {  	v43 =	vld [tilespmem:s24+$0x80B0]  }
0x90: {  	v44 =	vld [tilespmem:s24+$0x8120]  }
0x91: {  	v21 =	vadd.f32 v38, v21;
	v22 =	vadd.f32 v39, v22;
	v38 =	vld [tilespmem:s24+$0x8130]  }
0x92: {  	v23 =	vadd.f32 v40, v23;
	v24 =	vadd.f32 v41, v24;
	v39 =	vld [tilespmem:s24+$0x81A0]  }
0x93: {  	v21 =	vadd.f32 v20, v21;
	v22 =	vadd.f32 v27, v22;
	v40 =	vld [tilespmem:s24+$0x81B0]  }
0x94: {  	v23 =	vadd.f32 v42, v23;
	v24 =	vadd.f32 v43, v24;
	v20 =	vld [tilespmem:s24+$0x81C0]  }
0x95: {  	v21 =	vadd.f32 v25, v21;
	v22 =	vadd.f32 v26, v22;
	v25 =	vld [tilespmem:s24+$0x81D0]  }
0x96: {  	v23 =	vadd.f32 v44, v23;
	v24 =	vadd.f32 v38, v24;
	v26 =	vld [tilespmem:s24+$0x8140]  }
0x97: {  	v21 =	vadd.f32 v28, v21;
	v22 =	vadd.f32 v29, v22;
	v27 =	vld [tilespmem:s24+$0x8150]  }
.Ltmp2:
0x98: {  	v23 =	vadd.f32 v39, v23;
	v28 =	vld [tilespmem:s24+$0x80C0];
	v24 =	vadd.f32 v40, v24;
	(pc) =	sbr.rel @p1 .LBB2_3-.Ltmp2, $4  }
0x99: {  	v21 =	vadd.f32 v30, v21;
	v22 =	vadd.f32 v31, v22;
	v29 =	vld [tilespmem:s24+$0x80D0]  }
0x9a: {  	v23 =	vadd.f32 v36, v23;
	v30 =	vld [tilespmem:s24+$0x8040];
	v24 =	vadd.f32 v37, v24  }
0x9b: {  	v21 =	vadd.f32 v32, v21;
	v22 =	vadd.f32 v33, v22;
	v31 =	vld [tilespmem:s24+$0x8050]  }
0x9c: {  	s25 =	sadd.s32 $0x1000, s25;
	v23 =	vadd.f32 v34, v23;
	v32 =	vld [tilespmem:s24+$0x8060];
	v24 =	vadd.f32 v35, v24  }
0x9d: {  	v33 =	vld [tilespmem:s24+$0x8070];
	v14 =	vadd.f32 v14, v21;
	v16 =	vadd.f32 v16, v22  }
0x9e: {  	v21 =	vld [tilespmem:s24+$0x80E0];
	v13 =	vadd.f32 v13, v23;
	v15 =	vadd.f32 v15, v24  }
0x9f: {  	v22 =	vld [tilespmem:s24+$0x80F0];
	v6 =	vadd.f32 v6, v14;
	v7 =	vadd.f32 v7, v16  }
0xa0: {  	v14 =	vld [tilespmem:s24+$0x8160];
	v12 =	vadd.f32 v30, v12;
	v8 =	vadd.f32 v8, v13  }
0xa1: {  	v9 =	vadd.f32 v9, v15;
	v13 =	vadd.f32 v31, v19;
	v15 =	vld [tilespmem:s24+$0x8170]  }
0xa2: {  	v19 =	vld [tilespmem:s24+$0x81F0];
	v16 =	vadd.f32 v32, v18;
	v12 =	vadd.f32 v28, v12  }
0xa3: {  	v18 =	vld [tilespmem:s24+$0x81E0];
	v17 =	vadd.f32 v33, v17;
	v13 =	vadd.f32 v29, v13  }
0xa4: {  	v16 =	vadd.f32 v21, v16;
	v21 =	vld [tilespmem:s24+$0x8260];
	v12 =	vadd.f32 v26, v12  }
0xa5: {  	v17 =	vadd.f32 v22, v17;
	v13 =	vadd.f32 v27, v13;
	v22 =	vld [tilespmem:s24+$0x8270]  }
0xa6: {  	v14 =	vadd.f32 v14, v16;
	v16 =	vld [tilespmem:s24+$0x82E0];
	v12 =	vadd.f32 v20, v12  }
0xa7: {  	v15 =	vadd.f32 v15, v17;
	v13 =	vadd.f32 v25, v13;
	v17 =	vld [tilespmem:s24+$0x82F0]  }
0xa8: {  	v14 =	vadd.f32 v18, v14;
	v18 =	vld [tilespmem:s24+$0x8360];
	v10 =	vadd.f32 v10, v12  }
0xa9: {  	s25 =	smul.u32 $0x600, s21;
	v12 =	vadd.f32 v19, v15;
	v11 =	vadd.f32 v11, v13;
	v13 =	vld [tilespmem:s24+$0x8370]  }
0xaa: {  	v15 =	vld [tilespmem:s24+$0x83E0];
	v14 =	vadd.f32 v21, v14;
	v4 =	vadd.f32 v4, v10  }
0xab: {  	v10 =	vadd.f32 v22, v12;
	v5 =	vadd.f32 v5, v11;
	v11 =	vld [tilespmem:s24+$0x83F0];
	s24 =	sshra.s32 s25, $0x2  }
0xac: {  	v12 =	vadd.f32 v16, v14;
	v3 =	vadd.f32 v3, v4;
	[tilespmem:s24+$0x1AC00] =	vst v6  }
0xad: {  	[tilespmem:s24+$0x1AC10] =	vst v7;
	v4 =	vadd.f32 v17, v10;
	v2 =	vadd.f32 v2, v5  }
0xae: {  	[tilespmem:s24+$0x1AC20] =	vst v8;
	v5 =	vadd.f32 v18, v12;
	v0 =	vadd.f32 v0, v3  }
0xaf: {  	[tilespmem:s24+$0x1AC30] =	vst v9;
	v3 =	vadd.f32 v13, v4;
	v1 =	vadd.f32 v1, v2  }
0xb0: {  	s25 =	sadd.s32 @!p0 $0x3, s23;
	v2 =	vadd.f32 v15, v5;
	[tilespmem:s24+$0x1AC40] =	vst v0  }
0xb1: {  	s26 =	sshll.u32 @!p0 s25, $0x8;
	s25 =	sshll.u32 @!p0 s25, $0x7;
	v0 =	vadd.f32 v11, v3;
	[tilespmem:s24+$0x1AC50] =	vst v1  }
0xb2: {  	s26 =	sand.u32 @!p0 $0x1F800, s26;
	s25 =	sand.u32 @!p0 $0x380, s25;
	[tilespmem:s24+$0x1AC60] =	vst v2  }
0xb3: {  	s28 =	simm.s32 @!p0 $0x8000;
	s25 =	sor.u32 @!p0 s25, s26;
	s26 =	simm.s32 @!p0 $0x80;
	[tilespmem:s24+$0x1AC70] =	vst v0  }
0xb4: {  	[tilespmem:s28], [sflag:$0x1] =	stream.indirect.gather @!p0 [hbm4b:s2+s26], $0x80, s25, s26, $0xb8;
	[tilespmem:$0x1EC00] =	vst v63  }
0xb5: {  	s25 =	sor.u32 @!p0 $0x400, s25;
	s26 =	simm.s32 @!p0 $0x48;
	s28 =	simm.s32 @!p0 $0xC000  }
0xb6: {  	[tilespmem:s28], [sflag:$0x1] =	stream.indirect.gather @!p0 [hbm4b:s2+s26], $0x80, s25, s26, $0xb8;
	[tilespmem:$0x1EC00] =	vst v63  }
0xb7: {  	_ =	swait.ge [sflag:s17], $0x6400  }
0xb8: {  	[sflag:s17] =	ssyncset.done $0x0  }
0xb9: {  	s25 =	simm.s32 $0x0;
	[sflag:s17] =	ssyncadd.s32 $0xFFFF9C00  }
0xba: {  	v6 =	vld [tilespmem:s25+$0xE780]  }
0xbb: {  	v7 =	vld [tilespmem:s25+$0xE790]  }
0xbc: {  	v8 =	vld [tilespmem:s25+$0xE7A0]  }
0xbd: {  	v9 =	vld [tilespmem:s25+$0xE7B0]  }
0xbe: {  	v0 =	vld [tilespmem:s25+$0xE7C0]  }
0xbf: {  	v1 =	vld [tilespmem:s25+$0xE7D0]  }
0xc0: {  	v14 =	vld [tilespmem:s25+$0xE700]  }
0xc1: {  	v16 =	vld [tilespmem:s25+$0xE710]  }
0xc2: {  	v13 =	vld [tilespmem:s25+$0xE720]  }
0xc3: {  	v15 =	vld [tilespmem:s25+$0xE730]  }
0xc4: {  	v3 =	vld [tilespmem:s25+$0xE740]  }
0xc5: {  	v2 =	vld [tilespmem:s25+$0xE750]  }
0xc6: {  	v17 =	vld [tilespmem:s25+$0xE680]  }
0xc7: {  	v18 =	vld [tilespmem:s25+$0xE690]  }
0xc8: {  	v19 =	vld [tilespmem:s25+$0xE6A0]  }
0xc9: {  	v24 =	vld [tilespmem:s25+$0xE6B0]  }
0xca: {  	v4 =	vld [tilespmem:s25+$0xE6C0]  }
0xcb: {  	v5 =	vld [tilespmem:s25+$0xE6D0]  }
0xcc: {  	v21 =	vld [tilespmem:s25+$0xE600]  }
0xcd: {  	v22 =	vld [tilespmem:s25+$0xE610]  }
0xce: {  	v23 =	vld [tilespmem:s25+$0xE620]  }
0xcf: {  	v30 =	vld [tilespmem:s25+$0xE630]  }
0xd0: {  	v10 =	vld [tilespmem:s25+$0xE640]  }
0xd1: {  	v27 =	vld [tilespmem:s25+$0xE580]  }
0xd2: {  	v28 =	vld [tilespmem:s25+$0xE590]  }
0xd3: {  	v25 =	vld [tilespmem:s25+$0xE500]  }
0xd4: {  	v26 =	vld [tilespmem:s25+$0xE510]  }
0xd5: {  	v11 =	vld [tilespmem:s25+$0xE480]  }
0xd6: {  	v20 =	vld [tilespmem:s25+$0xE490]  }
0xd7: {  	v29 =	vld [tilespmem:s25+$0xE400]  }
0xd8: {  	v31 =	vld [tilespmem:s25+$0xE410]  }
0xd9: {  	v61 =	vld [tilespmem:s25+$0xE420]  }
0xda: {  	v62 =	vld [tilespmem:s25+$0xE430]  }
0xdb: {  	v34 =	vld [tilespmem:s25+$0xE4A0]  }
0xdc: {  	v35 =	vld [tilespmem:s25+$0xE4B0]  }
0xdd: {  	v12 =	vimm.f32 $0.0e+00;
	v36 =	vld [tilespmem:s25+$0xE520]  }
0xde: {  	v37 =	vld [tilespmem:s25+$0xE530];
	v29 =	vadd.f32 v29, v12;
	v31 =	vadd.f32 v31, v12  }
0xdf: {  	v38 =	vld [tilespmem:s25+$0xE5A0];
	v32 =	vadd.f32 v61, v12;
	v33 =	vadd.f32 v62, v12  }
0xe0: {  	v39 =	vld [tilespmem:s25+$0xE5B0];
	v29 =	vadd.f32 v11, v29;
	v31 =	vadd.f32 v20, v31  }
0xe1: {  	v11 =	vld [tilespmem:s25+$0xE650];
	v32 =	vadd.f32 v34, v32;
	v33 =	vadd.f32 v35, v33  }
0xe2: {  	v20 =	vld [tilespmem:s25+$0xE5C0];
	v29 =	vadd.f32 v25, v29;
	v31 =	vadd.f32 v26, v31  }
0xe3: {  	v25 =	vld [tilespmem:s25+$0xE5D0];
	v32 =	vadd.f32 v36, v32;
	v33 =	vadd.f32 v37, v33  }
0xe4: {  	v26 =	vld [tilespmem:s25+$0xE540];
	v29 =	vadd.f32 v27, v29;
	v31 =	vadd.f32 v28, v31  }
0xe5: {  	v27 =	vld [tilespmem:s25+$0xE550];
	v32 =	vadd.f32 v38, v32;
	v33 =	vadd.f32 v39, v33  }
0xe6: {  	v28 =	vld [tilespmem:s25+$0xE4C0];
	v21 =	vadd.f32 v21, v29;
	v22 =	vadd.f32 v22, v31  }
0xe7: {  	v29 =	vld [tilespmem:s25+$0xE4D0];
	v23 =	vadd.f32 v23, v32;
	v63 =	vadd.f32 v30, v33  }
0xe8: {  	v30 =	vld [tilespmem:s25+$0xE440];
	v21 =	vadd.f32 v17, v21;
	v22 =	vadd.f32 v18, v22  }
0xe9: {  	v31 =	vld [tilespmem:s25+$0xE450];
	v23 =	vadd.f32 v19, v23;
	v24 =	vadd.f32 v24, v63  }
0xea: {  	s26 =	simm.s32 $0x1000;
	v32 =	vld [tilespmem:s25+$0xE460];
	v19 =	vimm.f32 $0.0e+00;
	v18 =	vimm.f32 $0.0e+00;
	v17 =	vimm.f32 $0.0e+00  }
.LBB2_5:
0xeb: {  	p1 =	sne.s32 s26, $0x18000;
	v33 =	vld [tilespmem:s25+$0xE470];
	v14 =	vadd.f32 v14, v21;
	v16 =	vadd.f32 v16, v22  }
0xec: {  	v34 =	vld [tilespmem:s25+$0xE4E0];
	v13 =	vadd.f32 v13, v23;
	v15 =	vadd.f32 v15, v24  }
0xed: {  	v35 =	vld [tilespmem:s25+$0xE4F0];
	v21 =	vadd.f32 v6, v14;
	v22 =	vadd.f32 v7, v16  }
0xee: {  	v6 =	vld [tilespmem:s25+$0xE560];
	v23 =	vadd.f32 v8, v13;
	v24 =	vadd.f32 v9, v15  }
0xef: {  	v7 =	vadd.f32 v30, v12;
	v8 =	vadd.f32 v31, v19;
	v9 =	vld [tilespmem:s25+$0xE570]  }
0xf0: {  	v12 =	vadd.f32 v32, v18;
	v13 =	vadd.f32 v33, v17;
	v14 =	vld [tilespmem:s25+$0xE5E0]  }
0xf1: {  	v7 =	vadd.f32 v28, v7;
	v8 =	vadd.f32 v29, v8;
	v15 =	vld [tilespmem:s25+$0xE5F0]  }
0xf2: {  	v12 =	vadd.f32 v34, v12;
	v13 =	vadd.f32 v35, v13;
	v16 =	vld [tilespmem:s25+$0xE660]  }
0xf3: {  	v7 =	vadd.f32 v26, v7;
	v8 =	vadd.f32 v27, v8;
	v17 =	vld [tilespmem:s25+$0xE670]  }
0xf4: {  	v6 =	vadd.f32 v6, v12;
	v9 =	vadd.f32 v9, v13;
	v12 =	vld [tilespmem:s25+$0xE6E0]  }
0xf5: {  	v7 =	vadd.f32 v20, v7;
	v8 =	vadd.f32 v25, v8;
	v13 =	vld [tilespmem:s25+$0xE6F0]  }
0xf6: {  	v6 =	vadd.f32 v14, v6;
	v9 =	vadd.f32 v15, v9;
	v14 =	vld [tilespmem:s25+$0xE760]  }
0xf7: {  	v7 =	vadd.f32 v10, v7;
	v8 =	vadd.f32 v11, v8;
	v10 =	vld [tilespmem:s25+$0xE770]  }
0xf8: {  	v11 =	vadd.f32 v16, v6;
	v9 =	vadd.f32 v17, v9;
	v15 =	vld [tilespmem:s25+$0xE7E0]  }
0xf9: {  	v4 =	vadd.f32 v4, v7;
	v5 =	vadd.f32 v5, v8;
	v16 =	vld [tilespmem:s25+$0xE7F0];
	s25 =	sshra.s32 s26, $0x2  }
0xfa: {  	v11 =	vadd.f32 v12, v11;
	v6 =	vld [tilespmem:s25+$0xE780];
	v9 =	vadd.f32 v13, v9  }
0xfb: {  	v3 =	vadd.f32 v3, v4;
	v2 =	vadd.f32 v2, v5;
	v7 =	vld [tilespmem:s25+$0xE790]  }
0xfc: {  	v4 =	vadd.f32 v14, v11;
	v8 =	vld [tilespmem:s25+$0xE7A0];
	v5 =	vadd.f32 v10, v9  }
0xfd: {  	v12 =	vadd.f32 v0, v3;
	v19 =	vadd.f32 v1, v2;
	v9 =	vld [tilespmem:s25+$0xE7B0]  }
0xfe: {  	v18 =	vadd.f32 v15, v4;
	v0 =	vld [tilespmem:s25+$0xE7C0];
	v17 =	vadd.f32 v16, v5  }
0xff: {  	v1 =	vld [tilespmem:s25+$0xE7D0]  }
0x100: {  	v14 =	vld [tilespmem:s25+$0xE700]  }
0x101: {  	v16 =	vld [tilespmem:s25+$0xE710]  }
0x102: {  	v13 =	vld [tilespmem:s25+$0xE720]  }
0x103: {  	v15 =	vld [tilespmem:s25+$0xE730]  }
0x104: {  	v3 =	vld [tilespmem:s25+$0xE740]  }
0x105: {  	v2 =	vld [tilespmem:s25+$0xE750]  }
0x106: {  	v32 =	vld [tilespmem:s25+$0xE680]  }
0x107: {  	v33 =	vld [tilespmem:s25+$0xE690]  }
0x108: {  	v34 =	vld [tilespmem:s25+$0xE6A0]  }
0x109: {  	v35 =	vld [tilespmem:s25+$0xE6B0]  }
0x10a: {  	v4 =	vld [tilespmem:s25+$0xE6C0]  }
0x10b: {  	v5 =	vld [tilespmem:s25+$0xE6D0]  }
0x10c: {  	v30 =	vld [tilespmem:s25+$0xE600]  }
0x10d: {  	v31 =	vld [tilespmem:s25+$0xE610]  }
0x10e: {  	v36 =	vld [tilespmem:s25+$0xE620]  }
0x10f: {  	v37 =	vld [tilespmem:s25+$0xE630]  }
0x110: {  	v10 =	vld [tilespmem:s25+$0xE640]  }
0x111: {  	v11 =	vld [tilespmem:s25+$0xE650]  }
0x112: {  	v28 =	vld [tilespmem:s25+$0xE580]  }
0x113: {  	v29 =	vld [tilespmem:s25+$0xE590]  }
0x114: {  	v25 =	vld [tilespmem:s25+$0xE500]  }
0x115: {  	v26 =	vld [tilespmem:s25+$0xE510]  }
0x116: {  	v20 =	vld [tilespmem:s25+$0xE480]  }
0x117: {  	v27 =	vld [tilespmem:s25+$0xE490]  }
0x118: {  	v38 =	vld [tilespmem:s25+$0xE400]  }
0x119: {  	v39 =	vld [tilespmem:s25+$0xE410]  }
0x11a: {  	v40 =	vld [tilespmem:s25+$0xE420]  }
0x11b: {  	v41 =	vld [tilespmem:s25+$0xE430]  }
0x11c: {  	v42 =	vld [tilespmem:s25+$0xE4A0]  }
0x11d: {  	v43 =	vld [tilespmem:s25+$0xE4B0]  }
0x11e: {  	v44 =	vld [tilespmem:s25+$0xE520]  }
0x11f: {  	v21 =	vadd.f32 v38, v21;
	v22 =	vadd.f32 v39, v22;
	v38 =	vld [tilespmem:s25+$0xE530]  }
0x120: {  	v23 =	vadd.f32 v40, v23;
	v24 =	vadd.f32 v41, v24;
	v39 =	vld [tilespmem:s25+$0xE5A0]  }
0x121: {  	v21 =	vadd.f32 v20, v21;
	v22 =	vadd.f32 v27, v22;
	v40 =	vld [tilespmem:s25+$0xE5B0]  }
0x122: {  	v23 =	vadd.f32 v42, v23;
	v24 =	vadd.f32 v43, v24;
	v20 =	vld [tilespmem:s25+$0xE5C0]  }
0x123: {  	v21 =	vadd.f32 v25, v21;
	v22 =	vadd.f32 v26, v22;
	v25 =	vld [tilespmem:s25+$0xE5D0]  }
0x124: {  	v23 =	vadd.f32 v44, v23;
	v24 =	vadd.f32 v38, v24;
	v26 =	vld [tilespmem:s25+$0xE540]  }
0x125: {  	v21 =	vadd.f32 v28, v21;
	v22 =	vadd.f32 v29, v22;
	v27 =	vld [tilespmem:s25+$0xE550]  }
.Ltmp3:
0x126: {  	v23 =	vadd.f32 v39, v23;
	v28 =	vld [tilespmem:s25+$0xE4C0];
	v24 =	vadd.f32 v40, v24;
	(pc) =	sbr.rel @p1 .LBB2_5-.Ltmp3, $4  }
0x127: {  	v21 =	vadd.f32 v30, v21;
	v22 =	vadd.f32 v31, v22;
	v29 =	vld [tilespmem:s25+$0xE4D0]  }
0x128: {  	v23 =	vadd.f32 v36, v23;
	v30 =	vld [tilespmem:s25+$0xE440];
	v24 =	vadd.f32 v37, v24  }
0x129: {  	v21 =	vadd.f32 v32, v21;
	v22 =	vadd.f32 v33, v22;
	v31 =	vld [tilespmem:s25+$0xE450]  }
0x12a: {  	s26 =	sadd.s32 $0x1000, s26;
	v23 =	vadd.f32 v34, v23;
	v32 =	vld [tilespmem:s25+$0xE460];
	v24 =	vadd.f32 v35, v24  }
0x12b: {  	v14 =	vadd.f32 v14, v21;
	v16 =	vadd.f32 v16, v22  }
0x12c: {  	v33 =	vld [tilespmem:s25+$0xE470];
	v13 =	vadd.f32 v13, v23;
	v15 =	vadd.f32 v15, v24  }
0x12d: {  	v40 =	vld [tilespmem:s25+$0xE4E0];
	v6 =	vadd.f32 v6, v14;
	v7 =	vadd.f32 v7, v16  }
0x12e: {  	v41 =	vld [tilespmem:s25+$0xE4F0];
	v12 =	vadd.f32 v30, v12;
	v8 =	vadd.f32 v8, v13  }
0x12f: {  	v42 =	vld [tilespmem:s25+$0xE560];
	v9 =	vadd.f32 v9, v15;
	v43 =	vadd.f32 v31, v19  }
0x130: {  	v44 =	vld [tilespmem:s25+$0xE570];
	v45 =	vadd.f32 v32, v18;
	v12 =	vadd.f32 v28, v12  }
0x131: {  	v46 =	vld [tilespmem:s25+$0xE5E0];
	v17 =	vadd.f32 v33, v17;
	v13 =	vadd.f32 v29, v43  }
0x132: {  	v47 =	vld [tilespmem:s25+$0xE5F0];
	v16 =	vadd.f32 v40, v45;
	v12 =	vadd.f32 v26, v12  }
0x133: {  	v48 =	vld [tilespmem:s25+$0xE660];
	v17 =	vadd.f32 v41, v17;
	v13 =	vadd.f32 v27, v13  }
0x134: {  	v49 =	vld [tilespmem:s25+$0xE670];
	v14 =	vadd.f32 v42, v16;
	v12 =	vadd.f32 v20, v12  }
0x135: {  	v50 =	vld [tilespmem:s25+$0xE6E0];
	v15 =	vadd.f32 v44, v17;
	v13 =	vadd.f32 v25, v13  }
0x136: {  	v51 =	vld [tilespmem:s25+$0xE6F0];
	v14 =	vadd.f32 v46, v14;
	v10 =	vadd.f32 v10, v12  }
0x137: {  	v52 =	vld [tilespmem:s25+$0xE760];
	v53 =	vadd.f32 v47, v15;
	v11 =	vadd.f32 v11, v13  }
0x138: {  	v54 =	vld [tilespmem:s25+$0xE770];
	v14 =	vadd.f32 v48, v14;
	v4 =	vadd.f32 v4, v10  }
0x139: {  	v55 =	vld [tilespmem:s25+$0xE7E0];
	v56 =	vadd.f32 v49, v53;
	v5 =	vadd.f32 v5, v11  }
0x13a: {  	v57 =	vld [tilespmem:s25+$0xE7F0];
	[tilespmem:s24+$0x1AC80] =	vst v6;
	v58 =	vadd.f32 v50, v14;
	v3 =	vadd.f32 v3, v4  }
0x13b: {  	[tilespmem:s24+$0x1AC90] =	vst v7;
	v59 =	vadd.f32 v51, v56;
	v2 =	vadd.f32 v2, v5  }
0x13c: {  	[tilespmem:s24+$0x1ACA0] =	vst v8;
	v60 =	vadd.f32 v52, v58;
	v0 =	vadd.f32 v0, v3  }
.Ltmp4:
0x13d: {  	[tilespmem:s24+$0x1ACB0] =	vst v9;
	v61 =	vadd.f32 v54, v59;
	v1 =	vadd.f32 v1, v2;
	(pc) =	sbr.rel @p0 .LBB2_10-.Ltmp4, $4  }
0x13e: {  	v62 =	vadd.f32 v55, v60;
	[tilespmem:s24+$0x1ACC0] =	vst v0  }
0x13f: {  	v63 =	vadd.f32 v57, v61;
	[tilespmem:s24+$0x1ACD0] =	vst v1  }
0x140: {  	[tilespmem:s24+$0x1ACE0] =	vst v62  }
0x141: {  	[tilespmem:s24+$0x1ACF0] =	vst v63  }
0x142: {  	s23 =	sadd.s32 $0x4, s23  }
0x143: {  	s24 =	sshll.u32 s23, $0x8;
	s23 =	sshll.u32 s23, $0x7  }
0x144: {  	s24 =	sand.u32 $0x1F800, s24;
	s23 =	sand.u32 $0x380, s23  }
0x145: {  	s23 =	sor.u32 s23, s24  }
0x146: {  	[tilespmem:s13], [sflag:$0x2] =	stream.indirect.gather [hbm4b:s2+s8], $0x80, s23, s8, $0xb8;
	[tilespmem:$0x1EC00] =	vst v63  }
0x147: {  	s23 =	sor.u32 $0x400, s23  }
0x148: {  	[tilespmem:s15], [sflag:$0x2] =	stream.indirect.gather [hbm4b:s2+s10], $0x80, s23, s10, $0xb8;
	[tilespmem:$0x1EC00] =	vst v63  }
0x149: {  	_ =	swait.ge [sflag:s19], $0x6400  }
0x14a: {  	[sflag:s19] =	ssyncset.done $0x0  }
0x14b: {  	s23 =	simm.s32 $0x0;
	[sflag:s19] =	ssyncadd.s32 $0xFFFF9C00  }
0x14c: {  	v6 =	vld [tilespmem:s23+$0x14B80]  }
0x14d: {  	v7 =	vld [tilespmem:s23+$0x14B90]  }
0x14e: {  	v8 =	vld [tilespmem:s23+$0x14BA0]  }
0x14f: {  	v9 =	vld [tilespmem:s23+$0x14BB0]  }
0x150: {  	v0 =	vld [tilespmem:s23+$0x14BC0]  }
0x151: {  	v1 =	vld [tilespmem:s23+$0x14BD0]  }
0x152: {  	v14 =	vld [tilespmem:s23+$0x14B00]  }
0x153: {  	v16 =	vld [tilespmem:s23+$0x14B10]  }
0x154: {  	v13 =	vld [tilespmem:s23+$0x14B20]  }
0x155: {  	v15 =	vld [tilespmem:s23+$0x14B30]  }
0x156: {  	v3 =	vld [tilespmem:s23+$0x14B40]  }
0x157: {  	v2 =	vld [tilespmem:s23+$0x14B50]  }
0x158: {  	v17 =	vld [tilespmem:s23+$0x14A80]  }
0x159: {  	v18 =	vld [tilespmem:s23+$0x14A90]  }
0x15a: {  	v19 =	vld [tilespmem:s23+$0x14AA0]  }
0x15b: {  	v24 =	vld [tilespmem:s23+$0x14AB0]  }
0x15c: {  	v5 =	vld [tilespmem:s23+$0x14AC0]  }
0x15d: {  	v4 =	vld [tilespmem:s23+$0x14AD0]  }
0x15e: {  	v21 =	vld [tilespmem:s23+$0x14A00]  }
0x15f: {  	v22 =	vld [tilespmem:s23+$0x14A10]  }
0x160: {  	v23 =	vld [tilespmem:s23+$0x14A20]  }
0x161: {  	v30 =	vld [tilespmem:s23+$0x14A30]  }
0x162: {  	v10 =	vld [tilespmem:s23+$0x14A40]  }
0x163: {  	v27 =	vld [tilespmem:s23+$0x14980]  }
0x164: {  	v28 =	vld [tilespmem:s23+$0x14990]  }
0x165: {  	v25 =	vld [tilespmem:s23+$0x14900]  }
0x166: {  	v26 =	vld [tilespmem:s23+$0x14910]  }
0x167: {  	v11 =	vld [tilespmem:s23+$0x14880]  }
0x168: {  	v20 =	vld [tilespmem:s23+$0x14890]  }
0x169: {  	v29 =	vld [tilespmem:s23+$0x14800]  }
0x16a: {  	v31 =	vld [tilespmem:s23+$0x14810]  }
0x16b: {  	v32 =	vld [tilespmem:s23+$0x14820]  }
0x16c: {  	v33 =	vld [tilespmem:s23+$0x14830]  }
0x16d: {  	v34 =	vld [tilespmem:s23+$0x148A0]  }
0x16e: {  	v35 =	vld [tilespmem:s23+$0x148B0]  }
0x16f: {  	v12 =	vimm.f32 $0.0e+00;
	v36 =	vld [tilespmem:s23+$0x14920]  }
0x170: {  	v37 =	vld [tilespmem:s23+$0x14930];
	v29 =	vadd.f32 v29, v12;
	v31 =	vadd.f32 v31, v12  }
0x171: {  	v38 =	vld [tilespmem:s23+$0x149A0];
	v32 =	vadd.f32 v32, v12;
	v33 =	vadd.f32 v33, v12  }
0x172: {  	v39 =	vld [tilespmem:s23+$0x149B0];
	v29 =	vadd.f32 v11, v29;
	v31 =	vadd.f32 v20, v31  }
0x173: {  	v11 =	vld [tilespmem:s23+$0x14A50];
	v32 =	vadd.f32 v34, v32;
	v33 =	vadd.f32 v35, v33  }
0x174: {  	v20 =	vld [tilespmem:s23+$0x149C0];
	v29 =	vadd.f32 v25, v29;
	v31 =	vadd.f32 v26, v31  }
0x175: {  	v25 =	vld [tilespmem:s23+$0x149D0];
	v32 =	vadd.f32 v36, v32;
	v33 =	vadd.f32 v37, v33  }
0x176: {  	v26 =	vld [tilespmem:s23+$0x14940];
	v29 =	vadd.f32 v27, v29;
	v31 =	vadd.f32 v28, v31  }
0x177: {  	v27 =	vld [tilespmem:s23+$0x14950];
	v32 =	vadd.f32 v38, v32;
	v33 =	vadd.f32 v39, v33  }
0x178: {  	v28 =	vld [tilespmem:s23+$0x148C0];
	v21 =	vadd.f32 v21, v29;
	v22 =	vadd.f32 v22, v31  }
0x179: {  	v29 =	vld [tilespmem:s23+$0x148D0];
	v23 =	vadd.f32 v23, v32;
	v63 =	vadd.f32 v30, v33  }
0x17a: {  	v30 =	vld [tilespmem:s23+$0x14840];
	v21 =	vadd.f32 v17, v21;
	v22 =	vadd.f32 v18, v22  }
0x17b: {  	v31 =	vld [tilespmem:s23+$0x14850];
	v23 =	vadd.f32 v19, v23;
	v24 =	vadd.f32 v24, v63  }
0x17c: {  	s24 =	simm.s32 $0x1000;
	v32 =	vld [tilespmem:s23+$0x14860];
	v19 =	vimm.f32 $0.0e+00;
	v18 =	vimm.f32 $0.0e+00;
	v17 =	vimm.f32 $0.0e+00  }
.LBB2_8:
0x17d: {  	p0 =	sne.s32 s24, $0x18000;
	v33 =	vld [tilespmem:s23+$0x14870];
	v14 =	vadd.f32 v14, v21;
	v16 =	vadd.f32 v16, v22  }
0x17e: {  	v34 =	vld [tilespmem:s23+$0x148E0];
	v13 =	vadd.f32 v13, v23;
	v15 =	vadd.f32 v15, v24  }
0x17f: {  	v35 =	vld [tilespmem:s23+$0x148F0];
	v21 =	vadd.f32 v6, v14;
	v22 =	vadd.f32 v7, v16  }
0x180: {  	v6 =	vld [tilespmem:s23+$0x14960];
	v23 =	vadd.f32 v8, v13;
	v24 =	vadd.f32 v9, v15  }
0x181: {  	v7 =	vadd.f32 v30, v12;
	v8 =	vadd.f32 v31, v19;
	v9 =	vld [tilespmem:s23+$0x14970]  }
0x182: {  	v12 =	vadd.f32 v32, v18;
	v13 =	vadd.f32 v33, v17;
	v14 =	vld [tilespmem:s23+$0x149E0]  }
0x183: {  	v7 =	vadd.f32 v28, v7;
	v8 =	vadd.f32 v29, v8;
	v15 =	vld [tilespmem:s23+$0x149F0]  }
0x184: {  	v12 =	vadd.f32 v34, v12;
	v13 =	vadd.f32 v35, v13;
	v16 =	vld [tilespmem:s23+$0x14A60]  }
0x185: {  	v7 =	vadd.f32 v26, v7;
	v8 =	vadd.f32 v27, v8;
	v17 =	vld [tilespmem:s23+$0x14A70]  }
0x186: {  	v6 =	vadd.f32 v6, v12;
	v9 =	vadd.f32 v9, v13;
	v12 =	vld [tilespmem:s23+$0x14AE0]  }
0x187: {  	v7 =	vadd.f32 v20, v7;
	v8 =	vadd.f32 v25, v8;
	v13 =	vld [tilespmem:s23+$0x14AF0]  }
0x188: {  	v6 =	vadd.f32 v14, v6;
	v9 =	vadd.f32 v15, v9;
	v14 =	vld [tilespmem:s23+$0x14B60]  }
0x189: {  	v7 =	vadd.f32 v10, v7;
	v8 =	vadd.f32 v11, v8;
	v10 =	vld [tilespmem:s23+$0x14B70]  }
0x18a: {  	v11 =	vadd.f32 v16, v6;
	v9 =	vadd.f32 v17, v9;
	v15 =	vld [tilespmem:s23+$0x14BE0]  }
0x18b: {  	v5 =	vadd.f32 v5, v7;
	v4 =	vadd.f32 v4, v8;
	v16 =	vld [tilespmem:s23+$0x14BF0];
	s23 =	sshra.s32 s24, $0x2  }
0x18c: {  	v11 =	vadd.f32 v12, v11;
	v6 =	vld [tilespmem:s23+$0x14B80];
	v9 =	vadd.f32 v13, v9  }
0x18d: {  	v3 =	vadd.f32 v3, v5;
	v2 =	vadd.f32 v2, v4;
	v7 =	vld [tilespmem:s23+$0x14B90]  }
0x18e: {  	v4 =	vadd.f32 v14, v11;
	v8 =	vld [tilespmem:s23+$0x14BA0];
	v5 =	vadd.f32 v10, v9  }
0x18f: {  	v12 =	vadd.f32 v0, v3;
	v19 =	vadd.f32 v1, v2;
	v9 =	vld [tilespmem:s23+$0x14BB0]  }
0x190: {  	v18 =	vadd.f32 v15, v4;
	v0 =	vld [tilespmem:s23+$0x14BC0];
	v17 =	vadd.f32 v16, v5  }
0x191: {  	v1 =	vld [tilespmem:s23+$0x14BD0]  }
0x192: {  	v14 =	vld [tilespmem:s23+$0x14B00]  }
0x193: {  	v16 =	vld [tilespmem:s23+$0x14B10]  }
0x194: {  	v13 =	vld [tilespmem:s23+$0x14B20]  }
0x195: {  	v15 =	vld [tilespmem:s23+$0x14B30]  }
0x196: {  	v3 =	vld [tilespmem:s23+$0x14B40]  }
0x197: {  	v2 =	vld [tilespmem:s23+$0x14B50]  }
0x198: {  	v32 =	vld [tilespmem:s23+$0x14A80]  }
0x199: {  	v33 =	vld [tilespmem:s23+$0x14A90]  }
0x19a: {  	v34 =	vld [tilespmem:s23+$0x14AA0]  }
0x19b: {  	v35 =	vld [tilespmem:s23+$0x14AB0]  }
0x19c: {  	v5 =	vld [tilespmem:s23+$0x14AC0]  }
0x19d: {  	v4 =	vld [tilespmem:s23+$0x14AD0]  }
0x19e: {  	v30 =	vld [tilespmem:s23+$0x14A00]  }
0x19f: {  	v31 =	vld [tilespmem:s23+$0x14A10]  }
0x1a0: {  	v36 =	vld [tilespmem:s23+$0x14A20]  }
0x1a1: {  	v37 =	vld [tilespmem:s23+$0x14A30]  }
0x1a2: {  	v10 =	vld [tilespmem:s23+$0x14A40]  }
0x1a3: {  	v11 =	vld [tilespmem:s23+$0x14A50]  }
0x1a4: {  	v28 =	vld [tilespmem:s23+$0x14980]  }
0x1a5: {  	v29 =	vld [tilespmem:s23+$0x14990]  }
0x1a6: {  	v25 =	vld [tilespmem:s23+$0x14900]  }
0x1a7: {  	v26 =	vld [tilespmem:s23+$0x14910]  }
0x1a8: {  	v20 =	vld [tilespmem:s23+$0x14880]  }
0x1a9: {  	v27 =	vld [tilespmem:s23+$0x14890]  }
0x1aa: {  	v38 =	vld [tilespmem:s23+$0x14800]  }
0x1ab: {  	v39 =	vld [tilespmem:s23+$0x14810]  }
0x1ac: {  	v40 =	vld [tilespmem:s23+$0x14820]  }
0x1ad: {  	v41 =	vld [tilespmem:s23+$0x14830]  }
0x1ae: {  	v42 =	vld [tilespmem:s23+$0x148A0]  }
0x1af: {  	v43 =	vld [tilespmem:s23+$0x148B0]  }
0x1b0: {  	v44 =	vld [tilespmem:s23+$0x14920]  }
0x1b1: {  	v21 =	vadd.f32 v38, v21;
	v22 =	vadd.f32 v39, v22;
	v38 =	vld [tilespmem:s23+$0x14930]  }
0x1b2: {  	v23 =	vadd.f32 v40, v23;
	v24 =	vadd.f32 v41, v24;
	v39 =	vld [tilespmem:s23+$0x149A0]  }
0x1b3: {  	v21 =	vadd.f32 v20, v21;
	v22 =	vadd.f32 v27, v22;
	v40 =	vld [tilespmem:s23+$0x149B0]  }
0x1b4: {  	v23 =	vadd.f32 v42, v23;
	v24 =	vadd.f32 v43, v24;
	v20 =	vld [tilespmem:s23+$0x149C0]  }
0x1b5: {  	v21 =	vadd.f32 v25, v21;
	v22 =	vadd.f32 v26, v22;
	v25 =	vld [tilespmem:s23+$0x149D0]  }
0x1b6: {  	v23 =	vadd.f32 v44, v23;
	v24 =	vadd.f32 v38, v24;
	v26 =	vld [tilespmem:s23+$0x14940]  }
0x1b7: {  	v21 =	vadd.f32 v28, v21;
	v22 =	vadd.f32 v29, v22;
	v27 =	vld [tilespmem:s23+$0x14950]  }
.Ltmp5:
0x1b8: {  	v23 =	vadd.f32 v39, v23;
	v28 =	vld [tilespmem:s23+$0x148C0];
	v24 =	vadd.f32 v40, v24;
	(pc) =	sbr.rel @p0 .LBB2_8-.Ltmp5, $4  }
0x1b9: {  	v21 =	vadd.f32 v30, v21;
	v22 =	vadd.f32 v31, v22;
	v29 =	vld [tilespmem:s23+$0x148D0]  }
0x1ba: {  	v23 =	vadd.f32 v36, v23;
	v30 =	vld [tilespmem:s23+$0x14840];
	v24 =	vadd.f32 v37, v24  }
0x1bb: {  	v21 =	vadd.f32 v32, v21;
	v22 =	vadd.f32 v33, v22;
	v31 =	vld [tilespmem:s23+$0x14850]  }
0x1bc: {  	s24 =	sadd.s32 $0x1000, s24;
	v23 =	vadd.f32 v34, v23;
	v32 =	vld [tilespmem:s23+$0x14860];
	v24 =	vadd.f32 v35, v24  }
0x1bd: {  	v14 =	vadd.f32 v14, v21;
	v16 =	vadd.f32 v16, v22  }
0x1be: {  	v33 =	vld [tilespmem:s23+$0x14870];
	v13 =	vadd.f32 v13, v23;
	v15 =	vadd.f32 v15, v24  }
0x1bf: {  	v40 =	vld [tilespmem:s23+$0x148E0];
	v6 =	vadd.f32 v6, v14;
	v7 =	vadd.f32 v7, v16  }
0x1c0: {  	v41 =	vld [tilespmem:s23+$0x148F0];
	v12 =	vadd.f32 v30, v12;
	v8 =	vadd.f32 v8, v13  }
0x1c1: {  	v42 =	vld [tilespmem:s23+$0x14960];
	v9 =	vadd.f32 v9, v15;
	v43 =	vadd.f32 v31, v19  }
0x1c2: {  	v44 =	vld [tilespmem:s23+$0x14970];
	v45 =	vadd.f32 v32, v18;
	v12 =	vadd.f32 v28, v12  }
0x1c3: {  	v46 =	vld [tilespmem:s23+$0x149E0];
	v17 =	vadd.f32 v33, v17;
	v13 =	vadd.f32 v29, v43  }
0x1c4: {  	v47 =	vld [tilespmem:s23+$0x149F0];
	v16 =	vadd.f32 v40, v45;
	v12 =	vadd.f32 v26, v12  }
0x1c5: {  	v48 =	vld [tilespmem:s23+$0x14A60];
	v17 =	vadd.f32 v41, v17;
	v13 =	vadd.f32 v27, v13  }
0x1c6: {  	v49 =	vld [tilespmem:s23+$0x14A70];
	v14 =	vadd.f32 v42, v16;
	v12 =	vadd.f32 v20, v12  }
0x1c7: {  	v50 =	vld [tilespmem:s23+$0x14AE0];
	v15 =	vadd.f32 v44, v17;
	v13 =	vadd.f32 v25, v13  }
0x1c8: {  	v51 =	vld [tilespmem:s23+$0x14AF0];
	v14 =	vadd.f32 v46, v14;
	v10 =	vadd.f32 v10, v12  }
0x1c9: {  	v52 =	vld [tilespmem:s23+$0x14B60];
	v53 =	vadd.f32 v47, v15;
	v11 =	vadd.f32 v11, v13  }
0x1ca: {  	v54 =	vld [tilespmem:s23+$0x14B70];
	s22 =	sshll.u32 s22, $0x7;
	v14 =	vadd.f32 v48, v14;
	v5 =	vadd.f32 v5, v10  }
0x1cb: {  	v55 =	vld [tilespmem:s23+$0x14BE0];
	s22 =	sand.u32 $0x3FFFFF80, s22;
	v56 =	vadd.f32 v49, v53;
	v4 =	vadd.f32 v4, v11  }
0x1cc: {  	v57 =	vld [tilespmem:s23+$0x14BF0];
	[tilespmem:s22+$0x1AC00] =	vst v6;
	v58 =	vadd.f32 v50, v14;
	v3 =	vadd.f32 v3, v5  }
0x1cd: {  	[tilespmem:s22+$0x1AC10] =	vst v7;
	v59 =	vadd.f32 v51, v56;
	v2 =	vadd.f32 v2, v4  }
0x1ce: {  	[tilespmem:s22+$0x1AC20] =	vst v8;
	v60 =	vadd.f32 v52, v58;
	v0 =	vadd.f32 v0, v3  }
.Ltmp6:
0x1cf: {  	[tilespmem:s22+$0x1AC30] =	vst v9;
	v61 =	vadd.f32 v54, v59;
	v1 =	vadd.f32 v1, v2;
	(pc) =	sbr.rel .LBB2_2-.Ltmp6, $4  }
0x1d0: {  	v62 =	vadd.f32 v55, v60;
	[tilespmem:s22+$0x1AC40] =	vst v0  }
0x1d1: {  	v63 =	vadd.f32 v57, v61;
	[tilespmem:s22+$0x1AC50] =	vst v1  }
0x1d2: {  	[tilespmem:s22+$0x1AC60] =	vst v62  }
0x1d3: {  	s21 =	sadd.s32 $0x1, s21;
	[tilespmem:s22+$0x1AC70] =	vst v63  }
.LBB2_11:
0x1d4: {  	_ =	sfence.sel $0x180000  }
0x1d5: {  	[bflag:$0x0] =	sbarrier.arrive $0xFFFF  }
0x1d6: {  	p0 =	sne.s32 s1, $0x0;
	_ =	strace $0x90000047  }
0x1d7: {  	s0 =	sadd.s32 @!p0 $0x100000, s0;
	[bflag:$0x2] =	sbarrier.arrive $0xFFFF  }
0x1d8: {  	[sflag:s0] =	ssyncadd.tile.s32 @!p0 $0x1;
	_ =	shalt  }
.Lfunc_end2:
_tile_overlayer_lowered:
.L_overlay_start_2:
0x1d9: {  	(tag) =	ssettag $0x2  }
0x1da: {  	s0 =	rddreg [dreg:$0x0];
	s2 =	stileid.u32  }
0x1db: {  	s1 =	rddreg [dreg:$0x1];
	p0 =	sne.s32 s2, $0x0  }
0x1dc: {  	s3 =	rddreg [dreg:$0x2];
	[bflag:$0x3] =	sbarrier.arrive $0xFFFF;
	s2 =	simm.s32 @!p0 $0x1C04  }
0x1dd: {  	[timem:s3], [sflag:s2] =	dma.local @!p0 [hbm:s0], s1  }
0x1de: {  	s0 =	simm.s32 @!p0 $0x4  }
0x1df: {  	_ =	swait.ge @!p0 [sflag:s0], s1  }
0x1e0: {  	s1 =	ssub.s32 @!p0 $0x0, s1;
	[sflag:s0] =	ssyncset.done @!p0 $0x0  }
0x1e1: {  	[sflag:s0] =	ssyncadd.s32 @!p0 s1  }
0x1e2: {  	[bflag:$0x3] =	sbarrier.arrive $0xFFFF  }
0x1e3: {  	_ =	shalt  }

</sc_bundles>
